<compile_context>
chip_gen: v7x
topology: tpu7x:2x2x1
jax: 0.10.2.dev20260603
libtpu: 0.0.44.dev20260713+nightly
codegen_flags: <defaults>
</compile_context>

<pallas_src>
import jax
import jax.numpy as jnp
from jax import lax
from jax.experimental import pallas as pl
from jax.experimental.pallas import tpu as pltpu
from jax.experimental.pallas import tpu_sc as plsc

NC = 2
NS = 16
LANES = 16
KBLK = 128


def _acc_dims(N, NH):
    pb = ((-(-N // NH) + 127) // 128) * 128
    rpt = -(-(pb + 8) // NS)
    rpt = ((rpt + 7) // 8) * 8
    return pb, rpt, rpt * NS


def _edge_agg(table, src, dst, ew, zfeat, ones, *, N, E, T, RW, NH,
              with_count):
    PERTILE = E // NS
    CHUNK = 2000
    NCH = PERTILE // CHUNK
    assert PERTILE % CHUNK == 0 and CHUNK % LANES == 0
    HB, RPT, ACCR = _acc_dims(N, NH)
    CAP = ((PERTILE + KBLK + LANES + KBLK - 1) // KBLK) * KBLK
    DUMMY = HB
    SHIFT = int(HB).bit_length()
    assert (T * N) < (1 << (31 - SHIFT))

    f32 = jnp.float32
    i32 = jnp.int32
    NGRP = CAP // LANES

    def body(table_h, src_h, dst_h, ew_h, zfeat_h, ones_h, a_out, c_out,
             ld_src, ld_dst, ld_ew, com_c, rows, onesb, acc, cntacc, sem):
        cid = lax.axis_index("c")
        sid = lax.axis_index("s")
        pltpu.sync_copy(ones_h, onesb)
        lane = lax.iota(i32, LANES)
        base = sid * PERTILE

        def round_body(r, _):
            t = 2 * cid + lax.div(r, NH)
            h = lax.rem(r, NH)
            lo = h * HB
            pltpu.sync_copy(zfeat_h, acc.at[pl.ds(sid * RPT, RPT)])
            if with_count:
                pltpu.sync_copy(zfeat_h, cntacc.at[pl.ds(sid * RPT, RPT)])
            plsc.subcore_barrier()

            def chunk_body(ci, carry):
                off = pl.multiple_of(base + ci * CHUNK, 8)
                pltpu.sync_copy(src_h.at[pl.ds(off, CHUNK)], ld_src)
                pltpu.sync_copy(dst_h.at[pl.ds(off, CHUNK)], ld_dst)
                pltpu.sync_copy(ew_h.at[pl.ds(off, CHUNK)], ld_ew)

                def cbody(i, carry):
                    ng, cp, pend = carry
                    o = i * LANES
                    ew_v = ld_ew[pl.ds(o, LANES)]
                    d_v = ld_dst[pl.ds(o, LANES)] - lo
                    m = (ew_v == t) & (d_v >= 0) & (d_v < HB)
                    s_v = ld_src[pl.ds(o, LANES)] + t * N
                    mi = m.astype(i32)
                    com = jnp.where(m, lax.shift_left(s_v, SHIFT) + d_v,
                                    DUMMY)
                    _, sv = plsc.sort_key_val(mi, com, descending=True)
                    cnt = jnp.sum(mi)
                    pidx = lax.rem(lane + (LANES - cp), LANES)
                    rot = jnp.take_along_axis(sv, pidx, axis=0)
                    merged = jnp.where(lane >= cp, rot, pend)
                    com_c[pl.ds(ng * LANES, LANES)] = merged
                    total = cp + cnt
                    ov = (total >= LANES).astype(i32)
                    pend = jnp.where(ov > 0, rot, merged)
                    return ng + ov, total - ov * LANES, pend

                return lax.fori_loop(0, CHUNK // LANES, cbody, carry)

            ng, cp, pend = lax.fori_loop(
                0, NCH, chunk_body,
                (jnp.int32(0), jnp.int32(0),
                 jnp.full((LANES,), DUMMY, i32)))

            com_c[pl.ds(ng * LANES, LANES)] = jnp.where(lane < cp, pend,
                                                        DUMMY)

            def blk(g, carry):
                @pl.when(g <= ng)
                def _():
                    v = com_c[pl.ds(g * LANES, LANES)]
                    sidx = lax.shift_right_logical(v, SHIFT)
                    didx = lax.bitwise_and(v, (1 << SHIFT) - 1)
                    pltpu.async_copy(table_h.at[sidx], rows, sem).wait()
                    pltpu.sync_copy(rows, acc.at[didx], add=True)
                    if with_count:
                        pltpu.sync_copy(onesb, cntacc.at[didx], add=True)
                return carry

            lax.fori_loop(0, NGRP, blk, jnp.int32(0))
            plsc.subcore_barrier()

            pltpu.sync_copy(acc.at[pl.ds(sid * RPT, RPT)],
                            a_out.at[t, h, pl.ds(sid * RPT, RPT)])
            if with_count:
                pltpu.sync_copy(cntacc.at[pl.ds(sid * RPT, RPT)],
                                c_out.at[t, h, pl.ds(sid * RPT, RPT)])
            plsc.subcore_barrier()
            return _

        lax.fori_loop(0, 2 * NH, round_body, jnp.int32(0))

    fn = pl.kernel(
        body,
        out_type=(jax.ShapeDtypeStruct((T, NH, ACCR, RW), f32),
                  jax.ShapeDtypeStruct((T, NH, ACCR, RW), f32)),
        mesh=plsc.VectorSubcoreMesh(core_axis_name="c", subcore_axis_name="s",
                                    num_cores=NC, num_subcores=NS),
        compiler_params=pltpu.CompilerParams(needs_layout_passes=False),
        scratch_types=[
            pltpu.VMEM((CHUNK,), i32),
            pltpu.VMEM((CHUNK,), i32),
            pltpu.VMEM((CHUNK,), i32),
            pltpu.VMEM((CAP,), i32),
            pltpu.VMEM((LANES, RW), f32),
            pltpu.VMEM((LANES, RW), f32),
            pltpu.VMEM_SHARED((ACCR, RW), f32),
            pltpu.VMEM_SHARED((ACCR, RW), f32),
            pltpu.SemaphoreType.DMA,
        ],
    )
    return fn(table, src, dst, ew, zfeat, ones)


def _matmul(x, W):
    G, D, H = W.shape
    N = x.shape[0]
    BN = 1000
    NB = N // BN
    assert N % BN == 0

    def mk(x_ref, w_ref, o_ref):
        o_ref[...] = jnp.dot(x_ref[...], w_ref[0],
                             preferred_element_type=jnp.float32)

    return pl.pallas_call(
        mk,
        grid=(NB, G),
        in_specs=[
            pl.BlockSpec((BN, D), lambda nb, g: (nb, 0)),
            pl.BlockSpec((1, D, H), lambda nb, g: (g, 0, 0)),
        ],
        out_specs=pl.BlockSpec((BN, H), lambda nb, g: (g * NB + nb, 0)),
        out_shape=jax.ShapeDtypeStruct((G * N, H), jnp.float32),
    )(x, W)


def _finalize(a_pad, c_pad, z, b, *, N, T, H, RWA, RWC, NHA, NHC):
    PBA, _, _ = _acc_dims(N, NHA)
    PBC, _, _ = _acc_dims(N, NHC)
    BN = 80
    NB = N // BN
    NBA = PBA // BN
    NBC = PBC // BN
    assert N % BN == 0 and PBA % BN == 0 and PBC % BN == 0

    def fk(a_ref, c_ref, z_ref, b_ref, o_ref):
        cnt = jnp.maximum(c_ref[0, 0, :, 0:1], 1.0)
        o_ref[...] = jnp.maximum(
            a_ref[0, 0, :, :H] / cnt + z_ref[...] + b_ref[0], 0.0)

    b3 = b.reshape(T, 1, H)

    return pl.pallas_call(
        fk,
        grid=(T, NB),
        in_specs=[
            pl.BlockSpec((1, 1, BN, RWA), lambda t, nb: (t, nb // NBA,
                                                         nb % NBA, 0)),
            pl.BlockSpec((1, 1, BN, RWC), lambda t, nb: (t, nb // NBC,
                                                         nb % NBC, 0)),
            pl.BlockSpec((BN, H), lambda t, nb: (t * NB + nb, 0)),
            pl.BlockSpec((1, 1, H), lambda t, nb: (t, 0, 0)),
        ],
        out_specs=pl.BlockSpec((BN, H), lambda t, nb: (nb, t)),
        out_shape=jax.ShapeDtypeStruct((N, T * H), jnp.float32),
    )(a_pad, c_pad, z, b3)


def kernel(x, edge_index, edge_weight, Wl0, b0, Wr0, Wl1, b1, Wr1):
    N, D0 = x.shape
    T, _, H = Wl0.shape
    E = edge_weight.shape[0]
    src = edge_index[0]
    dst = edge_index[1]
    ew = edge_weight

    _, RPT0, _ = _acc_dims(N, 4)
    _, RPT1, _ = _acc_dims(N, 2)
    zf0 = jnp.zeros((RPT0, H), jnp.float32)
    zf1 = jnp.zeros((RPT1, H), jnp.float32)
    ones = jnp.ones((LANES, H), jnp.float32)

    yz0 = _matmul(x, jnp.concatenate([Wl0, Wr0], axis=0))
    a0, c0 = _edge_agg(yz0[:T * N], src, dst, ew, zf0, ones,
                       N=N, E=E, T=T, RW=H, NH=4, with_count=True)
    h1 = _finalize(a0, c0, yz0[T * N:], b0, N=N, T=T, H=H,
                   RWA=H, RWC=H, NHA=4, NHC=4)

    yz1 = _matmul(h1, jnp.concatenate([Wl1, Wr1], axis=0))
    a1, _c1 = _edge_agg(yz1[:T * N], src, dst, ew, zf1, ones,
                        N=N, E=E, T=T, RW=H, NH=2, with_count=False)
    return _finalize(a1, c0, yz1[T * N:], b1, N=N, T=T, H=H,
                     RWA=H, RWC=H, NHA=2, NHC=4)

# --- scband reference (transcript-rebuilt; emitter-appended) ---
"""Pipeline reference for scband-graph-sage-19808389169944 (READ-ONLY COPY).

The authoritative reference and input builder live on the scoring server;
editing this copy changes nothing except your own understanding.
"""

import jax, jax.numpy as jnp
import numpy as np

N = 10000
E = 320000
DIM_IN = 128
DIM_H = 128
NUM_LAYERS = 2
EDGE_TYPES = [0, 1, 2, 3]
T = len(EDGE_TYPES)


def setup_inputs(seed: int = 0) -> dict:
    key = jax.random.key(seed)
    ks = jax.random.split(key, 10)
    x = jax.random.normal(ks[0], (N, DIM_IN), dtype=jnp.float32)
    edge_index = jax.random.randint(ks[1], (2, E), 0, N, dtype=jnp.int32)
    edge_weight = jax.random.randint(ks[2], (E,), 0, T, dtype=jnp.int32)
    in0 = DIM_IN
    in1 = DIM_H * T
    s0 = 1.0 / np.sqrt(in0)
    s1 = 1.0 / np.sqrt(in1)
    Wl0 = jax.random.normal(ks[3], (T, in0, DIM_H), dtype=jnp.float32) * s0
    b0 = jnp.zeros((T, DIM_H), dtype=jnp.float32)
    Wr0 = jax.random.normal(ks[4], (T, in0, DIM_H), dtype=jnp.float32) * s0
    Wl1 = jax.random.normal(ks[5], (T, in1, DIM_H), dtype=jnp.float32) * s1
    b1 = jnp.zeros((T, DIM_H), dtype=jnp.float32)
    Wr1 = jax.random.normal(ks[6], (T, in1, DIM_H), dtype=jnp.float32) * s1
    return {"x": x, "edge_index": edge_index, "edge_weight": edge_weight,
            "Wl0": Wl0, "b0": b0, "Wr0": Wr0, "Wl1": Wl1, "b1": b1, "Wr1": Wr1}


def _sage_conv(x, src, dst, mask, Wl, b, Wr):
    # PyG SAGEConv (mean aggr): out = lin_l(mean_{j in N(i)} x_j) + lin_r(x_i)
    msgs = x[src] * mask[:, None]
    agg = jnp.zeros((x.shape[0], x.shape[1]), dtype=x.dtype).at[dst].add(msgs)
    cnt = jnp.zeros((x.shape[0],), dtype=x.dtype).at[dst].add(mask)
    mean = agg / jnp.maximum(cnt, 1.0)[:, None]
    return mean @ Wl + b + x @ Wr


def reference(x, edge_index, edge_weight, Wl0, b0, Wr0, Wl1, b1, Wr1):
    src = edge_index[0]
    dst = edge_index[1]
    layers = ((Wl0, b0, Wr0), (Wl1, b1, Wr1))
    for (Wl, b, Wr) in layers:
        embs = []
        for i, t in enumerate(EDGE_TYPES):
            mask = (edge_weight == t).astype(x.dtype)
            h = _sage_conv(x, src, dst, mask, Wl[i], b[i], Wr[i])
            h = jax.nn.relu(h)
            # dropout p=0.5 is identity in eval mode
            embs.append(h)
        x = jnp.concatenate(embs, axis=1)
    return x

if __name__ == "__main__":
    import jax
    _d = setup_inputs()
    print(jax.jit(kernel)(*tuple(_d.values())))

</pallas_src>

<mosaic_0001>
#map = affine_map<(d0, d1) -> (0, 0)>
#map1 = affine_map<(d0, d1) -> (0)>
#map2 = affine_map<(d0, d1) -> (0, 0, 0, 0)>
module attributes {stable_mosaic.version = 14 : i64} {
  func.func @body(%arg0: i32, %arg1: i32, %arg2: memref<40000x128xf32, #tpu.memory_space<hbm>>, %arg3: memref<320000xi32, #tpu.memory_space<hbm>>, %arg4: memref<320000xi32, #tpu.memory_space<hbm>>, %arg5: memref<320000xi32, #tpu.memory_space<hbm>>, %arg6: memref<168x128xf32, #tpu.memory_space<hbm>>, %arg7: memref<16x128xf32, #tpu.memory_space<hbm>>, %arg8: memref<4x4x2688x128xf32, #tpu.memory_space<hbm>>, %arg9: memref<4x4x2688x128xf32, #tpu.memory_space<hbm>>, %arg10: memref<2000xi32, #tpu.memory_space<vmem>>, %arg11: memref<2000xi32, #tpu.memory_space<vmem>>, %arg12: memref<2000xi32, #tpu.memory_space<vmem>>, %arg13: memref<20224xi32, #tpu.memory_space<vmem>>, %arg14: memref<16x128xf32, #tpu.memory_space<vmem>>, %arg15: memref<16x128xf32, #tpu.memory_space<vmem>>, %arg16: memref<2688x128xf32, #tpu.memory_space<vmem_shared>>, %arg17: memref<2688x128xf32, #tpu.memory_space<vmem_shared>>, %arg18: memref<!tpu.dma_semaphore, #tpu.memory_space<semaphore_mem>>) attributes {dimension_semantics = [#tpu.dimension_semantics<core_parallel>, #tpu.dimension_semantics<subcore_parallel>], iteration_bounds = array<i64: 2, 16>, scalar_prefetch = 0 : i64, scratch_operands = 9 : i64, tpu.core_type = #tpu.core_type<sc_vector_subcore>, window_params = [{transform_indices = #map}, {transform_indices = #map1}, {transform_indices = #map1}, {transform_indices = #map1}, {transform_indices = #map}, {transform_indices = #map}, {transform_indices = #map2}, {transform_indices = #map2}]} {
    "tpu.region"() ({
      %run_scoped3A = tpu.sem_alloc : memref<!tpu.dma_semaphore, #tpu.memory_space<semaphore_mem>>
      tpu.enqueue_dma source(%arg7 : memref<16x128xf32, #tpu.memory_space<hbm>>) target(%arg15 : memref<16x128xf32, #tpu.memory_space<vmem>>) target_semaphore(%run_scoped3A : memref<!tpu.dma_semaphore, #tpu.memory_space<semaphore_mem>>)
      tpu.wait_dma2 semaphore(%run_scoped3A : memref<!tpu.dma_semaphore, #tpu.memory_space<semaphore_mem>>) src(%arg7 : memref<16x128xf32, #tpu.memory_space<hbm>>) dst(%arg15 : memref<16x128xf32, #tpu.memory_space<vmem>>)
      tpu.yield
    }) : () -> ()
    %iota3A = tpu.iota {dimensions = array<i32: 0>} : vector<16xi32>
    %mul3A = arith.constant 20000 : i32
    %mul3A_0 = arith.muli %arg1, %mul3A : i32
    %scan3A = arith.constant 0 : i32
    %scan3A_1 = arith.constant 0 : i32
    %scan3A_2 = arith.constant 8 : i32
    %scan3A_3 = arith.addi %scan3A_1, %scan3A_2 : i32
    %scan3A_4 = arith.constant 1 : i32
    scf.for %scan3A_6 = %scan3A_1 to %scan3A_3 step %scan3A_4  : i32 {
      %mul3A_7 = arith.constant 2 : i32
      %mul3A_8 = arith.muli %mul3A_7, %arg0 : i32
      %div3A = arith.constant 4 : i32
      %div3A_9 = arith.divsi %scan3A_6, %div3A : i32
      %add3A = arith.addi %mul3A_8, %div3A_9 : i32
      %rem3A = arith.constant 4 : i32
      %rem3A_10 = arith.remsi %scan3A_6, %rem3A : i32
      %mul3A_11 = arith.constant 2560 : i32
      %mul3A_12 = arith.muli %rem3A_10, %mul3A_11 : i32
      %mul3A_13 = arith.constant 168 : i32
      %mul3A_14 = arith.muli %arg1, %mul3A_13 : i32
      "tpu.region"() ({
        %run_scoped3A = tpu.sem_alloc : memref<!tpu.dma_semaphore, #tpu.memory_space<semaphore_mem>>
        %dma_start3A = arith.constant 0 : i32
        %dma_start3A_47 = tpu.memref_slice %arg16[%mul3A_14, %dma_start3A] : memref<2688x128xf32, #tpu.memory_space<vmem_shared>> -> memref<168x128xf32, #tpu.memory_space<vmem_shared>>
        tpu.enqueue_dma source(%arg6 : memref<168x128xf32, #tpu.memory_space<hbm>>) target(%dma_start3A_47 : memref<168x128xf32, #tpu.memory_space<vmem_shared>>) target_semaphore(%run_scoped3A : memref<!tpu.dma_semaphore, #tpu.memory_space<semaphore_mem>>)
        %dma_wait3A = arith.constant 0 : i32
        %dma_wait3A_48 = tpu.memref_slice %arg16[%mul3A_14, %dma_wait3A] : memref<2688x128xf32, #tpu.memory_space<vmem_shared>> -> memref<168x128xf32, #tpu.memory_space<vmem_shared>>
        tpu.wait_dma2 semaphore(%run_scoped3A : memref<!tpu.dma_semaphore, #tpu.memory_space<semaphore_mem>>) src(%arg6 : memref<168x128xf32, #tpu.memory_space<hbm>>) dst(%dma_wait3A_48 : memref<168x128xf32, #tpu.memory_space<vmem_shared>>)
        tpu.yield
      }) : () -> ()
      %mul3A_15 = arith.constant 168 : i32
      %mul3A_16 = arith.muli %arg1, %mul3A_15 : i32
      "tpu.region"() ({
        %run_scoped3A = tpu.sem_alloc : memref<!tpu.dma_semaphore, #tpu.memory_space<semaphore_mem>>
        %dma_start3A = arith.constant 0 : i32
        %dma_start3A_47 = tpu.memref_slice %arg17[%mul3A_16, %dma_start3A] : memref<2688x128xf32, #tpu.memory_space<vmem_shared>> -> memref<168x128xf32, #tpu.memory_space<vmem_shared>>
        tpu.enqueue_dma source(%arg6 : memref<168x128xf32, #tpu.memory_space<hbm>>) target(%dma_start3A_47 : memref<168x128xf32, #tpu.memory_space<vmem_shared>>) target_semaphore(%run_scoped3A : memref<!tpu.dma_semaphore, #tpu.memory_space<semaphore_mem>>)
        %dma_wait3A = arith.constant 0 : i32
        %dma_wait3A_48 = tpu.memref_slice %arg17[%mul3A_16, %dma_wait3A] : memref<2688x128xf32, #tpu.memory_space<vmem_shared>> -> memref<168x128xf32, #tpu.memory_space<vmem_shared>>
        tpu.wait_dma2 semaphore(%run_scoped3A : memref<!tpu.dma_semaphore, #tpu.memory_space<semaphore_mem>>) src(%arg6 : memref<168x128xf32, #tpu.memory_space<hbm>>) dst(%dma_wait3A_48 : memref<168x128xf32, #tpu.memory_space<vmem_shared>>)
        tpu.yield
      }) : () -> ()
      %barrier3A = arith.constant 0 : index
      tpu.barrier barrier_id(%barrier3A)
      %broadcast_in_dim3A = arith.constant 2560 : i32
      %broadcast_in_dim3A_17 = vector.broadcast %broadcast_in_dim3A : i32 to vector<16xi32>
      %scan3A_18 = arith.constant 0 : i32
      %scan3A_19 = arith.constant 0 : i32
      %scan3A_20 = arith.constant 0 : i32
      %scan3A_21 = arith.constant 10 : i32
      %scan3A_22 = arith.addi %scan3A_20, %scan3A_21 : i32
      %scan3A_23 = arith.constant 1 : i32
      %scan3A_24:3 = scf.for %scan3A_47 = %scan3A_20 to %scan3A_22 step %scan3A_23 iter_args(%scan3A_48 = %scan3A_18, %scan3A_49 = %scan3A_19, %scan3A_50 = %broadcast_in_dim3A_17) -> (i32, i32, vector<16xi32>)  : i32 {
        %mul3A_51 = arith.constant 2000 : i32
        %mul3A_52 = arith.muli %scan3A_47, %mul3A_51 : i32
        %add3A_53 = arith.addi %mul3A_0, %mul3A_52 : i32
        %multiple_of3A = tpu.assume_multiple %add3A_53, 8 : i32
        "tpu.region"() ({
          %run_scoped3A = tpu.sem_alloc : memref<!tpu.dma_semaphore, #tpu.memory_space<semaphore_mem>>
          %dma_start3A = tpu.memref_slice %arg3[%multiple_of3A] : memref<320000xi32, #tpu.memory_space<hbm>> -> memref<2000xi32, #tpu.memory_space<hbm>>
          %dma_start3A_60 = tpu.memref_slice %arg3[%multiple_of3A] : memref<320000xi32, #tpu.memory_space<hbm>> -> memref<2000xi32, #tpu.memory_space<hbm>>
          tpu.enqueue_dma source(%dma_start3A_60 : memref<2000xi32, #tpu.memory_space<hbm>>) target(%arg10 : memref<2000xi32, #tpu.memory_space<vmem>>) target_semaphore(%run_scoped3A : memref<!tpu.dma_semaphore, #tpu.memory_space<semaphore_mem>>)
          %dma_wait3A = tpu.memref_slice %arg3[%multiple_of3A] : memref<320000xi32, #tpu.memory_space<hbm>> -> memref<2000xi32, #tpu.memory_space<hbm>>
          %dma_wait3A_61 = tpu.memref_slice %arg3[%multiple_of3A] : memref<320000xi32, #tpu.memory_space<hbm>> -> memref<2000xi32, #tpu.memory_space<hbm>>
          tpu.wait_dma2 semaphore(%run_scoped3A : memref<!tpu.dma_semaphore, #tpu.memory_space<semaphore_mem>>) src(%dma_wait3A_61 : memref<2000xi32, #tpu.memory_space<hbm>>) dst(%arg10 : memref<2000xi32, #tpu.memory_space<vmem>>)
          tpu.yield
        }) : () -> ()
        "tpu.region"() ({
          %run_scoped3A = tpu.sem_alloc : memref<!tpu.dma_semaphore, #tpu.memory_space<semaphore_mem>>
          %dma_start3A = tpu.memref_slice %arg4[%multiple_of3A] : memref<320000xi32, #tpu.memory_space<hbm>> -> memref<2000xi32, #tpu.memory_space<hbm>>
          %dma_start3A_60 = tpu.memref_slice %arg4[%multiple_of3A] : memref<320000xi32, #tpu.memory_space<hbm>> -> memref<2000xi32, #tpu.memory_space<hbm>>
          tpu.enqueue_dma source(%dma_start3A_60 : memref<2000xi32, #tpu.memory_space<hbm>>) target(%arg11 : memref<2000xi32, #tpu.memory_space<vmem>>) target_semaphore(%run_scoped3A : memref<!tpu.dma_semaphore, #tpu.memory_space<semaphore_mem>>)
          %dma_wait3A = tpu.memref_slice %arg4[%multiple_of3A] : memref<320000xi32, #tpu.memory_space<hbm>> -> memref<2000xi32, #tpu.memory_space<hbm>>
          %dma_wait3A_61 = tpu.memref_slice %arg4[%multiple_of3A] : memref<320000xi32, #tpu.memory_space<hbm>> -> memref<2000xi32, #tpu.memory_space<hbm>>
          tpu.wait_dma2 semaphore(%run_scoped3A : memref<!tpu.dma_semaphore, #tpu.memory_space<semaphore_mem>>) src(%dma_wait3A_61 : memref<2000xi32, #tpu.memory_space<hbm>>) dst(%arg11 : memref<2000xi32, #tpu.memory_space<vmem>>)
          tpu.yield
        }) : () -> ()
        "tpu.region"() ({
          %run_scoped3A = tpu.sem_alloc : memref<!tpu.dma_semaphore, #tpu.memory_space<semaphore_mem>>
          %dma_start3A = tpu.memref_slice %arg5[%multiple_of3A] : memref<320000xi32, #tpu.memory_space<hbm>> -> memref<2000xi32, #tpu.memory_space<hbm>>
          %dma_start3A_60 = tpu.memref_slice %arg5[%multiple_of3A] : memref<320000xi32, #tpu.memory_space<hbm>> -> memref<2000xi32, #tpu.memory_space<hbm>>
          tpu.enqueue_dma source(%dma_start3A_60 : memref<2000xi32, #tpu.memory_space<hbm>>) target(%arg12 : memref<2000xi32, #tpu.memory_space<vmem>>) target_semaphore(%run_scoped3A : memref<!tpu.dma_semaphore, #tpu.memory_space<semaphore_mem>>)
          %dma_wait3A = tpu.memref_slice %arg5[%multiple_of3A] : memref<320000xi32, #tpu.memory_space<hbm>> -> memref<2000xi32, #tpu.memory_space<hbm>>
          %dma_wait3A_61 = tpu.memref_slice %arg5[%multiple_of3A] : memref<320000xi32, #tpu.memory_space<hbm>> -> memref<2000xi32, #tpu.memory_space<hbm>>
          tpu.wait_dma2 semaphore(%run_scoped3A : memref<!tpu.dma_semaphore, #tpu.memory_space<semaphore_mem>>) src(%dma_wait3A_61 : memref<2000xi32, #tpu.memory_space<hbm>>) dst(%arg12 : memref<2000xi32, #tpu.memory_space<vmem>>)
          tpu.yield
        }) : () -> ()
        %scan3A_54 = arith.constant 0 : i32
        %scan3A_55 = arith.constant 125 : i32
        %scan3A_56 = arith.addi %scan3A_54, %scan3A_55 : i32
        %scan3A_57 = arith.constant 1 : i32
        %scan3A_58:3 = scf.for %scan3A_60 = %scan3A_54 to %scan3A_56 step %scan3A_57 iter_args(%scan3A_61 = %scan3A_48, %scan3A_62 = %scan3A_49, %scan3A_63 = %scan3A_50) -> (i32, i32, vector<16xi32>)  : i32 {
          %mul3A_64 = arith.constant 16 : i32
          %mul3A_65 = arith.muli %scan3A_60, %mul3A_64 : i32
          %get3A = arith.index_cast %mul3A_65 : i32 to index
          %get3A_66 = tpu.vector_load %arg12[%get3A] {strides = array<i32>} : memref<2000xi32, #tpu.memory_space<vmem>>, vector<16xi32>,
          %get3A_67 = arith.index_cast %mul3A_65 : i32 to index
          %get3A_68 = tpu.vector_load %arg11[%get3A_67] {strides = array<i32>} : memref<2000xi32, #tpu.memory_space<vmem>>, vector<16xi32>,
          %sub3A = vector.broadcast %mul3A_12 : i32 to vector<16xi32>
          %sub3A_69 = arith.subi %get3A_68, %sub3A : vector<16xi32>
          %eq3A = vector.broadcast %add3A : i32 to vector<16xi32>
          %eq3A_70 = arith.cmpi eq, %get3A_66, %eq3A : vector<16xi32>
          %ge3A = arith.constant 0 : i32
          %ge3A_71 = vector.broadcast %ge3A : i32 to vector<16xi32>
          %ge3A_72 = arith.cmpi sge, %sub3A_69, %ge3A_71 : vector<16xi32>
          %and3A = arith.andi %eq3A_70, %ge3A_72 : vector<16xi1>
          %lt3A_73 = arith.constant 2560 : i32
          %lt3A_74 = vector.broadcast %lt3A_73 : i32 to vector<16xi32>
          %lt3A_75 = arith.cmpi slt, %sub3A_69, %lt3A_74 : vector<16xi32>
          %and3A_76 = arith.andi %and3A, %lt3A_75 : vector<16xi1>
          %get3A_77 = arith.index_cast %mul3A_65 : i32 to index
          %get3A_78 = tpu.vector_load %arg10[%get3A_77] {strides = array<i32>} : memref<2000xi32, #tpu.memory_space<vmem>>, vector<16xi32>,
          %mul3A_79 = arith.constant 10000 : i32
          %mul3A_80 = arith.muli %add3A, %mul3A_79 : i32
          %add3A_81 = vector.broadcast %mul3A_80 : i32 to vector<16xi32>
          %add3A_82 = arith.addi %get3A_78, %add3A_81 : vector<16xi32>
          %convert_element_type3A = arith.extui %and3A_76 : vector<16xi1> to vector<16xi32>
          %shift_left3A = arith.constant 12 : i32
          %shift_left3A_83 = vector.broadcast %shift_left3A : i32 to vector<16xi32>
          %shift_left3A_84 = arith.shli %add3A_82, %shift_left3A_83 : vector<16xi32>
          %add3A_85 = arith.addi %shift_left3A_84, %sub3A_69 : vector<16xi32>
          %jit3A_86 = arith.constant 2560 : i32
          %broadcast_in_dim3A_87 = vector.broadcast %jit3A_86 : i32 to vector<16xi32>
          %select_n3A_88 = arith.select %and3A_76, %add3A_85, %broadcast_in_dim3A_87 : vector<16xi1>, vector<16xi32>
          %masked_sort3A = arith.constant dense<true> : vector<16xi1>
          %masked_sort3A_89 = arith.constant -2147483648 : i32
          %masked_sort3A_90 = vector.broadcast %masked_sort3A_89 : i32 to vector<16xi32>
          %masked_sort3A_91 = arith.xori %convert_element_type3A, %masked_sort3A_90 : vector<16xi32>
          %masked_sort3A_92, %masked_sort3A_93, %masked_sort3A_94 = tpu.sort %masked_sort3A_91, %select_n3A_88 masked %masked_sort3A {descending = true} : (vector<16xi32>, vector<16xi32>, vector<16xi1>) -> (vector<16xi1>, vector<16xi32>, vector<16xi32>)
          %masked_sort3A_95 = arith.xori %masked_sort3A_93, %masked_sort3A_90 : vector<16xi32>
          %reduce_sum3A = arith.constant true
          %reduce_sum3A_96 = vector.broadcast %reduce_sum3A : i1 to vector<16xi1>
          %reduce_sum3A_97 = tpu.scan <sum>, %convert_element_type3A masked %reduce_sum3A_96 : vector<16xi32>, vector<16xi1> -> vector<16xi32>
          %reduce_sum3A_98 = vector.extract %reduce_sum3A_97[15] : i32 from vector<16xi32>
          %sub3A_99 = arith.constant 16 : i32
          %sub3A_100 = arith.subi %sub3A_99, %scan3A_62 : i32
          %add3A_101 = vector.broadcast %sub3A_100 : i32 to vector<16xi32>
          %add3A_102 = arith.addi %iota3A, %add3A_101 : vector<16xi32>
          %rem3A_103 = arith.constant 16 : i32
          %rem3A_104 = vector.broadcast %rem3A_103 : i32 to vector<16xi32>
          %rem3A_105 = arith.remsi %add3A_102, %rem3A_104 : vector<16xi32>
          %lt3A_106 = arith.constant 0 : i32
          %lt3A_107 = vector.broadcast %lt3A_106 : i32 to vector<16xi32>
          %lt3A_108 = arith.cmpi slt, %rem3A_105, %lt3A_107 : vector<16xi32>
          %add3A_109 = arith.constant 16 : i32
          %add3A_110 = vector.broadcast %add3A_109 : i32 to vector<16xi32>
          %add3A_111 = arith.addi %rem3A_105, %add3A_110 : vector<16xi32>
          %select_n3A_112 = arith.select %lt3A_108, %add3A_111, %rem3A_105 : vector<16xi1>, vector<16xi32>
          %reshape3A = vector.shape_cast %select_n3A_112 : vector<16xi32> to vector<16x1xi32>
          %gather3A = vector.shape_cast %reshape3A : vector<16x1xi32> to vector<16xi32>
          %gather3A_113 = tpu.dynamic_gather %masked_sort3A_94[%gather3A] in [0] : vector<16xi32>, vector<16xi32> -> vector<16xi32>
          %ge3A_114 = vector.broadcast %scan3A_62 : i32 to vector<16xi32>
          %ge3A_115 = arith.cmpi sge, %iota3A, %ge3A_114 : vector<16xi32>
          %select_n3A_116 = arith.select %ge3A_115, %gather3A_113, %scan3A_63 : vector<16xi1>, vector<16xi32>
          %mul3A_117 = arith.constant 16 : i32
          %mul3A_118 = arith.muli %scan3A_61, %mul3A_117 : i32
          %swap3A_119 = arith.index_cast %mul3A_118 : i32 to index
          %swap3A_120 = tpu.vector_load %arg13[%swap3A_119] {strides = array<i32>} : memref<20224xi32, #tpu.memory_space<vmem>>, vector<16xi32>,
          tpu.vector_store %arg13[%swap3A_119], %select_n3A_116 {strides = array<i32>} : memref<20224xi32, #tpu.memory_space<vmem>>, vector<16xi32>,
          %add3A_121 = arith.addi %scan3A_62, %reduce_sum3A_98 : i32
          %ge3A_122 = arith.constant 16 : i32
          %ge3A_123 = arith.cmpi sge, %add3A_121, %ge3A_122 : i32
          %convert_element_type3A_124 = arith.extui %ge3A_123 : i1 to i32
          %gt3A = arith.constant 0 : i32
          %gt3A_125 = arith.cmpi sgt, %convert_element_type3A_124, %gt3A : i32
          %select_n3A_126 = arith.select %gt3A_125, %gather3A_113, %select_n3A_116 : vector<16xi32>
          %add3A_127 = arith.addi %scan3A_61, %convert_element_type3A_124 : i32
          %mul3A_128 = arith.constant 16 : i32
          %mul3A_129 = arith.muli %convert_element_type3A_124, %mul3A_128 : i32
          %sub3A_130 = arith.subi %add3A_121, %mul3A_129 : i32
          scf.yield %add3A_127, %sub3A_130, %select_n3A_126 : i32, i32, vector<16xi32>
        }
        %scan3A_59 = arith.constant 125 : i32
        scf.yield %scan3A_58#0, %scan3A_58#1, %scan3A_58#2 : i32, i32, vector<16xi32>
      }
      %scan3A_25 = arith.constant 10 : i32
      %lt3A = vector.broadcast %scan3A_24#1 : i32 to vector<16xi32>
      %lt3A_26 = arith.cmpi slt, %iota3A, %lt3A : vector<16xi32>
      %jit3A = arith.constant 2560 : i32
      %broadcast_in_dim3A_27 = vector.broadcast %jit3A : i32 to vector<16xi32>
      %select_n3A = arith.select %lt3A_26, %scan3A_24#2, %broadcast_in_dim3A_27 : vector<16xi1>, vector<16xi32>
      %mul3A_28 = arith.constant 16 : i32
      %mul3A_29 = arith.muli %scan3A_24#0, %mul3A_28 : i32
      %swap3A = arith.index_cast %mul3A_29 : i32 to index
      %swap3A_30 = tpu.vector_load %arg13[%swap3A] {strides = array<i32>} : memref<20224xi32, #tpu.memory_space<vmem>>, vector<16xi32>,
      tpu.vector_store %arg13[%swap3A], %select_n3A {strides = array<i32>} : memref<20224xi32, #tpu.memory_space<vmem>>, vector<16xi32>,
      %scan3A_31 = arith.constant 0 : i32
      %scan3A_32 = arith.constant 0 : i32
      %scan3A_33 = arith.constant 1264 : i32
      %scan3A_34 = arith.addi %scan3A_32, %scan3A_33 : i32
      %scan3A_35 = arith.constant 1 : i32
      scf.for %scan3A_47 = %scan3A_32 to %scan3A_34 step %scan3A_35  : i32 {
        %le3A = arith.cmpi sle, %scan3A_47, %scan3A_24#0 : i32
        %convert_element_type3A = arith.extui %le3A : i1 to i32
        %cond3A = arith.constant 0 : i32
        %cond3A_48 = arith.cmpi ne, %convert_element_type3A, %cond3A : i32
        scf.if %cond3A_48 {
          %mul3A_49 = arith.constant 16 : i32
          %mul3A_50 = arith.muli %scan3A_47, %mul3A_49 : i32
          %get3A = arith.index_cast %mul3A_50 : i32 to index
          %get3A_51 = tpu.vector_load %arg13[%get3A] {strides = array<i32>} : memref<20224xi32, #tpu.memory_space<vmem>>, vector<16xi32>,
          %shift_right_logical3A = arith.constant 12 : i32
          %shift_right_logical3A_52 = vector.broadcast %shift_right_logical3A : i32 to vector<16xi32>
          %shift_right_logical3A_53 = arith.shrui %get3A_51, %shift_right_logical3A_52 : vector<16xi32>
          %and3A = arith.constant 4095 : i32
          %and3A_54 = vector.broadcast %and3A : i32 to vector<16xi32>
          %and3A_55 = arith.andi %get3A_51, %and3A_54 : vector<16xi32>
          %dma_start3A = arith.constant 0 : i32
          %dma_start3A_56 = arith.constant 0 : i32
          %dma_start3A_57 = tpu.memref_slice %arg2[%dma_start3A, %dma_start3A_56] : memref<40000x128xf32, #tpu.memory_space<hbm>> -> memref<40000x128xf32, #tpu.memory_space<hbm>>
          tpu.enqueue_indirect_dma source(%dma_start3A_57 : memref<40000x128xf32, #tpu.memory_space<hbm>>) target(%arg14 : memref<16x128xf32, #tpu.memory_space<vmem>>) offsets(%shift_right_logical3A_53 : vector<16xi32>) semaphore(%arg18 : memref<!tpu.dma_semaphore, #tpu.memory_space<semaphore_mem>>)
          %dma_wait3A = arith.constant 0 : i32
          %dma_wait3A_58 = arith.constant 0 : i32
          %dma_wait3A_59 = tpu.memref_slice %arg2[%dma_wait3A, %dma_wait3A_58] : memref<40000x128xf32, #tpu.memory_space<hbm>> -> memref<40000x128xf32, #tpu.memory_space<hbm>>
          tpu.wait_indirect_dma semaphore(%arg18 : memref<!tpu.dma_semaphore, #tpu.memory_space<semaphore_mem>>) src(%dma_wait3A_59 : memref<40000x128xf32, #tpu.memory_space<hbm>>) dst(%arg14 : memref<16x128xf32, #tpu.memory_space<vmem>>)
          "tpu.region"() ({
            %run_scoped3A = tpu.sem_alloc : memref<!tpu.dma_semaphore, #tpu.memory_space<semaphore_mem>>
            %dma_start3A_60 = arith.constant 0 : i32
            %dma_start3A_61 = arith.constant 0 : i32
            %dma_start3A_62 = tpu.memref_slice %arg16[%dma_start3A_60, %dma_start3A_61] : memref<2688x128xf32, #tpu.memory_space<vmem_shared>> -> memref<2688x128xf32, #tpu.memory_space<vmem_shared>>
            tpu.enqueue_indirect_dma source(%arg14 : memref<16x128xf32, #tpu.memory_space<vmem>>) target(%dma_start3A_62 : memref<2688x128xf32, #tpu.memory_space<vmem_shared>>) offsets(%and3A_55 : vector<16xi32>) semaphore(%run_scoped3A : memref<!tpu.dma_semaphore, #tpu.memory_space<semaphore_mem>>) {add = true}
            %dma_wait3A_63 = arith.constant 0 : i32
            %dma_wait3A_64 = arith.constant 0 : i32
            %dma_wait3A_65 = tpu.memref_slice %arg16[%dma_wait3A_63, %dma_wait3A_64] : memref<2688x128xf32, #tpu.memory_space<vmem_shared>> -> memref<2688x128xf32, #tpu.memory_space<vmem_shared>>
            tpu.wait_indirect_dma semaphore(%run_scoped3A : memref<!tpu.dma_semaphore, #tpu.memory_space<semaphore_mem>>) src(%arg14 : memref<16x128xf32, #tpu.memory_space<vmem>>) dst(%dma_wait3A_65 : memref<2688x128xf32, #tpu.memory_space<vmem_shared>>)
            tpu.yield
          }) : () -> ()
          "tpu.region"() ({
            %run_scoped3A = tpu.sem_alloc : memref<!tpu.dma_semaphore, #tpu.memory_space<semaphore_mem>>
            %dma_start3A_60 = arith.constant 0 : i32
            %dma_start3A_61 = arith.constant 0 : i32
            %dma_start3A_62 = tpu.memref_slice %arg17[%dma_start3A_60, %dma_start3A_61] : memref<2688x128xf32, #tpu.memory_space<vmem_shared>> -> memref<2688x128xf32, #tpu.memory_space<vmem_shared>>
            tpu.enqueue_indirect_dma source(%arg15 : memref<16x128xf32, #tpu.memory_space<vmem>>) target(%dma_start3A_62 : memref<2688x128xf32, #tpu.memory_space<vmem_shared>>) offsets(%and3A_55 : vector<16xi32>) semaphore(%run_scoped3A : memref<!tpu.dma_semaphore, #tpu.memory_space<semaphore_mem>>) {add = true}
            %dma_wait3A_63 = arith.constant 0 : i32
            %dma_wait3A_64 = arith.constant 0 : i32
            %dma_wait3A_65 = tpu.memref_slice %arg17[%dma_wait3A_63, %dma_wait3A_64] : memref<2688x128xf32, #tpu.memory_space<vmem_shared>> -> memref<2688x128xf32, #tpu.memory_space<vmem_shared>>
            tpu.wait_indirect_dma semaphore(%run_scoped3A : memref<!tpu.dma_semaphore, #tpu.memory_space<semaphore_mem>>) src(%arg15 : memref<16x128xf32, #tpu.memory_space<vmem>>) dst(%dma_wait3A_65 : memref<2688x128xf32, #tpu.memory_space<vmem_shared>>)
            tpu.yield
          }) : () -> ()
        } else {
        }
      }
      %scan3A_36 = arith.constant 1264 : i32
      %barrier3A_37 = arith.constant 0 : index
      tpu.barrier barrier_id(%barrier3A_37)
      %mul3A_38 = arith.constant 168 : i32
      %mul3A_39 = arith.muli %arg1, %mul3A_38 : i32
      %mul3A_40 = arith.constant 168 : i32
      %mul3A_41 = arith.muli %arg1, %mul3A_40 : i32
      "tpu.region"() ({
        %run_scoped3A = tpu.sem_alloc : memref<!tpu.dma_semaphore, #tpu.memory_space<semaphore_mem>>
        %dma_start3A = arith.constant 0 : i32
        %dma_start3A_47 = tpu.memref_slice %arg8[%add3A, %rem3A_10, %mul3A_41, %dma_start3A] : memref<4x4x2688x128xf32, #tpu.memory_space<hbm>> -> memref<1x1x168x128xf32, #tpu.memory_space<hbm>>
        %dma_start3A_48 = tpu.memref_squeeze %dma_start3A_47 : memref<1x1x168x128xf32, #tpu.memory_space<hbm>> -> memref<168x128xf32, #tpu.memory_space<hbm>>
        %dma_start3A_49 = arith.constant 0 : i32
        %dma_start3A_50 = tpu.memref_slice %arg16[%mul3A_39, %dma_start3A_49] : memref<2688x128xf32, #tpu.memory_space<vmem_shared>> -> memref<168x128xf32, #tpu.memory_space<vmem_shared>>
        tpu.enqueue_dma source(%dma_start3A_50 : memref<168x128xf32, #tpu.memory_space<vmem_shared>>) target(%dma_start3A_48 : memref<168x128xf32, #tpu.memory_space<hbm>>) target_semaphore(%run_scoped3A : memref<!tpu.dma_semaphore, #tpu.memory_space<semaphore_mem>>)
        %dma_wait3A = arith.constant 0 : i32
        %dma_wait3A_51 = tpu.memref_slice %arg8[%add3A, %rem3A_10, %mul3A_41, %dma_wait3A] : memref<4x4x2688x128xf32, #tpu.memory_space<hbm>> -> memref<1x1x168x128xf32, #tpu.memory_space<hbm>>
        %dma_wait3A_52 = tpu.memref_squeeze %dma_wait3A_51 : memref<1x1x168x128xf32, #tpu.memory_space<hbm>> -> memref<168x128xf32, #tpu.memory_space<hbm>>
        %dma_wait3A_53 = arith.constant 0 : i32
        %dma_wait3A_54 = tpu.memref_slice %arg16[%mul3A_39, %dma_wait3A_53] : memref<2688x128xf32, #tpu.memory_space<vmem_shared>> -> memref<168x128xf32, #tpu.memory_space<vmem_shared>>
        tpu.wait_dma2 semaphore(%run_scoped3A : memref<!tpu.dma_semaphore, #tpu.memory_space<semaphore_mem>>) src(%dma_wait3A_54 : memref<168x128xf32, #tpu.memory_space<vmem_shared>>) dst(%dma_wait3A_52 : memref<168x128xf32, #tpu.memory_space<hbm>>)
        tpu.yield
      }) : () -> ()
      %mul3A_42 = arith.constant 168 : i32
      %mul3A_43 = arith.muli %arg1, %mul3A_42 : i32
      %mul3A_44 = arith.constant 168 : i32
      %mul3A_45 = arith.muli %arg1, %mul3A_44 : i32
      "tpu.region"() ({
        %run_scoped3A = tpu.sem_alloc : memref<!tpu.dma_semaphore, #tpu.memory_space<semaphore_mem>>
        %dma_start3A = arith.constant 0 : i32
        %dma_start3A_47 = tpu.memref_slice %arg9[%add3A, %rem3A_10, %mul3A_45, %dma_start3A] : memref<4x4x2688x128xf32, #tpu.memory_space<hbm>> -> memref<1x1x168x128xf32, #tpu.memory_space<hbm>>
        %dma_start3A_48 = tpu.memref_squeeze %dma_start3A_47 : memref<1x1x168x128xf32, #tpu.memory_space<hbm>> -> memref<168x128xf32, #tpu.memory_space<hbm>>
        %dma_start3A_49 = arith.constant 0 : i32
        %dma_start3A_50 = tpu.memref_slice %arg17[%mul3A_43, %dma_start3A_49] : memref<2688x128xf32, #tpu.memory_space<vmem_shared>> -> memref<168x128xf32, #tpu.memory_space<vmem_shared>>
        tpu.enqueue_dma source(%dma_start3A_50 : memref<168x128xf32, #tpu.memory_space<vmem_shared>>) target(%dma_start3A_48 : memref<168x128xf32, #tpu.memory_space<hbm>>) target_semaphore(%run_scoped3A : memref<!tpu.dma_semaphore, #tpu.memory_space<semaphore_mem>>)
        %dma_wait3A = arith.constant 0 : i32
        %dma_wait3A_51 = tpu.memref_slice %arg9[%add3A, %rem3A_10, %mul3A_45, %dma_wait3A] : memref<4x4x2688x128xf32, #tpu.memory_space<hbm>> -> memref<1x1x168x128xf32, #tpu.memory_space<hbm>>
        %dma_wait3A_52 = tpu.memref_squeeze %dma_wait3A_51 : memref<1x1x168x128xf32, #tpu.memory_space<hbm>> -> memref<168x128xf32, #tpu.memory_space<hbm>>
        %dma_wait3A_53 = arith.constant 0 : i32
        %dma_wait3A_54 = tpu.memref_slice %arg17[%mul3A_43, %dma_wait3A_53] : memref<2688x128xf32, #tpu.memory_space<vmem_shared>> -> memref<168x128xf32, #tpu.memory_space<vmem_shared>>
        tpu.wait_dma2 semaphore(%run_scoped3A : memref<!tpu.dma_semaphore, #tpu.memory_space<semaphore_mem>>) src(%dma_wait3A_54 : memref<168x128xf32, #tpu.memory_space<vmem_shared>>) dst(%dma_wait3A_52 : memref<168x128xf32, #tpu.memory_space<hbm>>)
        tpu.yield
      }) : () -> ()
      %barrier3A_46 = arith.constant 0 : index
      tpu.barrier barrier_id(%barrier3A_46)
    }
    %scan3A_5 = arith.constant 8 : i32
    return
  }
}

#map = affine_map<(d0, d1) -> (0, 0)>
#map1 = affine_map<(d0, d1) -> (0)>
#map2 = affine_map<(d0, d1) -> (0, 0, 0, 0)>
module attributes {stable_mosaic.version = 14 : i64} {
  func.func @body(%arg0: i32, %arg1: i32, %arg2: memref<40000x128xf32, #tpu.memory_space<hbm>>, %arg3: memref<320000xi32, #tpu.memory_space<hbm>>, %arg4: memref<320000xi32, #tpu.memory_space<hbm>>, %arg5: memref<320000xi32, #tpu.memory_space<hbm>>, %arg6: memref<328x128xf32, #tpu.memory_space<hbm>>, %arg7: memref<16x128xf32, #tpu.memory_space<hbm>>, %arg8: memref<4x2x5248x128xf32, #tpu.memory_space<hbm>>, %arg9: memref<4x2x5248x128xf32, #tpu.memory_space<hbm>>, %arg10: memref<2000xi32, #tpu.memory_space<vmem>>, %arg11: memref<2000xi32, #tpu.memory_space<vmem>>, %arg12: memref<2000xi32, #tpu.memory_space<vmem>>, %arg13: memref<20224xi32, #tpu.memory_space<vmem>>, %arg14: memref<16x128xf32, #tpu.memory_space<vmem>>, %arg15: memref<16x128xf32, #tpu.memory_space<vmem>>, %arg16: memref<5248x128xf32, #tpu.memory_space<vmem_shared>>, %arg17: memref<5248x128xf32, #tpu.memory_space<vmem_shared>>, %arg18: memref<!tpu.dma_semaphore, #tpu.memory_space<semaphore_mem>>) attributes {dimension_semantics = [#tpu.dimension_semantics<core_parallel>, #tpu.dimension_semantics<subcore_parallel>], iteration_bounds = array<i64: 2, 16>, scalar_prefetch = 0 : i64, scratch_operands = 9 : i64, tpu.core_type = #tpu.core_type<sc_vector_subcore>, window_params = [{transform_indices = #map}, {transform_indices = #map1}, {transform_indices = #map1}, {transform_indices = #map1}, {transform_indices = #map}, {transform_indices = #map}, {transform_indices = #map2}, {transform_indices = #map2}]} {
    "tpu.region"() ({
      %run_scoped3A = tpu.sem_alloc : memref<!tpu.dma_semaphore, #tpu.memory_space<semaphore_mem>>
      tpu.enqueue_dma source(%arg7 : memref<16x128xf32, #tpu.memory_space<hbm>>) target(%arg15 : memref<16x128xf32, #tpu.memory_space<vmem>>) target_semaphore(%run_scoped3A : memref<!tpu.dma_semaphore, #tpu.memory_space<semaphore_mem>>)
      tpu.wait_dma2 semaphore(%run_scoped3A : memref<!tpu.dma_semaphore, #tpu.memory_space<semaphore_mem>>) src(%arg7 : memref<16x128xf32, #tpu.memory_space<hbm>>) dst(%arg15 : memref<16x128xf32, #tpu.memory_space<vmem>>)
      tpu.yield
    }) : () -> ()
    %iota3A = tpu.iota {dimensions = array<i32: 0>} : vector<16xi32>
    %mul3A = arith.constant 20000 : i32
    %mul3A_0 = arith.muli %arg1, %mul3A : i32
    %scan3A = arith.constant 0 : i32
    %scan3A_1 = arith.constant 0 : i32
    %scan3A_2 = arith.constant 4 : i32
    %scan3A_3 = arith.addi %scan3A_1, %scan3A_2 : i32
    %scan3A_4 = arith.constant 1 : i32
    scf.for %scan3A_6 = %scan3A_1 to %scan3A_3 step %scan3A_4  : i32 {
      %mul3A_7 = arith.constant 2 : i32
      %mul3A_8 = arith.muli %mul3A_7, %arg0 : i32
      %div3A = arith.constant 2 : i32
      %div3A_9 = arith.divsi %scan3A_6, %div3A : i32
      %add3A = arith.addi %mul3A_8, %div3A_9 : i32
      %rem3A = arith.constant 2 : i32
      %rem3A_10 = arith.remsi %scan3A_6, %rem3A : i32
      %mul3A_11 = arith.constant 5120 : i32
      %mul3A_12 = arith.muli %rem3A_10, %mul3A_11 : i32
      %mul3A_13 = arith.constant 328 : i32
      %mul3A_14 = arith.muli %arg1, %mul3A_13 : i32
      "tpu.region"() ({
        %run_scoped3A = tpu.sem_alloc : memref<!tpu.dma_semaphore, #tpu.memory_space<semaphore_mem>>
        %dma_start3A = arith.constant 0 : i32
        %dma_start3A_41 = tpu.memref_slice %arg16[%mul3A_14, %dma_start3A] : memref<5248x128xf32, #tpu.memory_space<vmem_shared>> -> memref<328x128xf32, #tpu.memory_space<vmem_shared>>
        tpu.enqueue_dma source(%arg6 : memref<328x128xf32, #tpu.memory_space<hbm>>) target(%dma_start3A_41 : memref<328x128xf32, #tpu.memory_space<vmem_shared>>) target_semaphore(%run_scoped3A : memref<!tpu.dma_semaphore, #tpu.memory_space<semaphore_mem>>)
        %dma_wait3A = arith.constant 0 : i32
        %dma_wait3A_42 = tpu.memref_slice %arg16[%mul3A_14, %dma_wait3A] : memref<5248x128xf32, #tpu.memory_space<vmem_shared>> -> memref<328x128xf32, #tpu.memory_space<vmem_shared>>
        tpu.wait_dma2 semaphore(%run_scoped3A : memref<!tpu.dma_semaphore, #tpu.memory_space<semaphore_mem>>) src(%arg6 : memref<328x128xf32, #tpu.memory_space<hbm>>) dst(%dma_wait3A_42 : memref<328x128xf32, #tpu.memory_space<vmem_shared>>)
        tpu.yield
      }) : () -> ()
      %barrier3A = arith.constant 0 : index
      tpu.barrier barrier_id(%barrier3A)
      %broadcast_in_dim3A = arith.constant 5120 : i32
      %broadcast_in_dim3A_15 = vector.broadcast %broadcast_in_dim3A : i32 to vector<16xi32>
      %scan3A_16 = arith.constant 0 : i32
      %scan3A_17 = arith.constant 0 : i32
      %scan3A_18 = arith.constant 0 : i32
      %scan3A_19 = arith.constant 10 : i32
      %scan3A_20 = arith.addi %scan3A_18, %scan3A_19 : i32
      %scan3A_21 = arith.constant 1 : i32
      %scan3A_22:3 = scf.for %scan3A_41 = %scan3A_18 to %scan3A_20 step %scan3A_21 iter_args(%scan3A_42 = %scan3A_16, %scan3A_43 = %scan3A_17, %scan3A_44 = %broadcast_in_dim3A_15) -> (i32, i32, vector<16xi32>)  : i32 {
        %mul3A_45 = arith.constant 2000 : i32
        %mul3A_46 = arith.muli %scan3A_41, %mul3A_45 : i32
        %add3A_47 = arith.addi %mul3A_0, %mul3A_46 : i32
        %multiple_of3A = tpu.assume_multiple %add3A_47, 8 : i32
        "tpu.region"() ({
          %run_scoped3A = tpu.sem_alloc : memref<!tpu.dma_semaphore, #tpu.memory_space<semaphore_mem>>
          %dma_start3A = tpu.memref_slice %arg3[%multiple_of3A] : memref<320000xi32, #tpu.memory_space<hbm>> -> memref<2000xi32, #tpu.memory_space<hbm>>
          %dma_start3A_54 = tpu.memref_slice %arg3[%multiple_of3A] : memref<320000xi32, #tpu.memory_space<hbm>> -> memref<2000xi32, #tpu.memory_space<hbm>>
          tpu.enqueue_dma source(%dma_start3A_54 : memref<2000xi32, #tpu.memory_space<hbm>>) target(%arg10 : memref<2000xi32, #tpu.memory_space<vmem>>) target_semaphore(%run_scoped3A : memref<!tpu.dma_semaphore, #tpu.memory_space<semaphore_mem>>)
          %dma_wait3A = tpu.memref_slice %arg3[%multiple_of3A] : memref<320000xi32, #tpu.memory_space<hbm>> -> memref<2000xi32, #tpu.memory_space<hbm>>
          %dma_wait3A_55 = tpu.memref_slice %arg3[%multiple_of3A] : memref<320000xi32, #tpu.memory_space<hbm>> -> memref<2000xi32, #tpu.memory_space<hbm>>
          tpu.wait_dma2 semaphore(%run_scoped3A : memref<!tpu.dma_semaphore, #tpu.memory_space<semaphore_mem>>) src(%dma_wait3A_55 : memref<2000xi32, #tpu.memory_space<hbm>>) dst(%arg10 : memref<2000xi32, #tpu.memory_space<vmem>>)
          tpu.yield
        }) : () -> ()
        "tpu.region"() ({
          %run_scoped3A = tpu.sem_alloc : memref<!tpu.dma_semaphore, #tpu.memory_space<semaphore_mem>>
          %dma_start3A = tpu.memref_slice %arg4[%multiple_of3A] : memref<320000xi32, #tpu.memory_space<hbm>> -> memref<2000xi32, #tpu.memory_space<hbm>>
          %dma_start3A_54 = tpu.memref_slice %arg4[%multiple_of3A] : memref<320000xi32, #tpu.memory_space<hbm>> -> memref<2000xi32, #tpu.memory_space<hbm>>
          tpu.enqueue_dma source(%dma_start3A_54 : memref<2000xi32, #tpu.memory_space<hbm>>) target(%arg11 : memref<2000xi32, #tpu.memory_space<vmem>>) target_semaphore(%run_scoped3A : memref<!tpu.dma_semaphore, #tpu.memory_space<semaphore_mem>>)
          %dma_wait3A = tpu.memref_slice %arg4[%multiple_of3A] : memref<320000xi32, #tpu.memory_space<hbm>> -> memref<2000xi32, #tpu.memory_space<hbm>>
          %dma_wait3A_55 = tpu.memref_slice %arg4[%multiple_of3A] : memref<320000xi32, #tpu.memory_space<hbm>> -> memref<2000xi32, #tpu.memory_space<hbm>>
          tpu.wait_dma2 semaphore(%run_scoped3A : memref<!tpu.dma_semaphore, #tpu.memory_space<semaphore_mem>>) src(%dma_wait3A_55 : memref<2000xi32, #tpu.memory_space<hbm>>) dst(%arg11 : memref<2000xi32, #tpu.memory_space<vmem>>)
          tpu.yield
        }) : () -> ()
        "tpu.region"() ({
          %run_scoped3A = tpu.sem_alloc : memref<!tpu.dma_semaphore, #tpu.memory_space<semaphore_mem>>
          %dma_start3A = tpu.memref_slice %arg5[%multiple_of3A] : memref<320000xi32, #tpu.memory_space<hbm>> -> memref<2000xi32, #tpu.memory_space<hbm>>
          %dma_start3A_54 = tpu.memref_slice %arg5[%multiple_of3A] : memref<320000xi32, #tpu.memory_space<hbm>> -> memref<2000xi32, #tpu.memory_space<hbm>>
          tpu.enqueue_dma source(%dma_start3A_54 : memref<2000xi32, #tpu.memory_space<hbm>>) target(%arg12 : memref<2000xi32, #tpu.memory_space<vmem>>) target_semaphore(%run_scoped3A : memref<!tpu.dma_semaphore, #tpu.memory_space<semaphore_mem>>)
          %dma_wait3A = tpu.memref_slice %arg5[%multiple_of3A] : memref<320000xi32, #tpu.memory_space<hbm>> -> memref<2000xi32, #tpu.memory_space<hbm>>
          %dma_wait3A_55 = tpu.memref_slice %arg5[%multiple_of3A] : memref<320000xi32, #tpu.memory_space<hbm>> -> memref<2000xi32, #tpu.memory_space<hbm>>
          tpu.wait_dma2 semaphore(%run_scoped3A : memref<!tpu.dma_semaphore, #tpu.memory_space<semaphore_mem>>) src(%dma_wait3A_55 : memref<2000xi32, #tpu.memory_space<hbm>>) dst(%arg12 : memref<2000xi32, #tpu.memory_space<vmem>>)
          tpu.yield
        }) : () -> ()
        %scan3A_48 = arith.constant 0 : i32
        %scan3A_49 = arith.constant 125 : i32
        %scan3A_50 = arith.addi %scan3A_48, %scan3A_49 : i32
        %scan3A_51 = arith.constant 1 : i32
        %scan3A_52:3 = scf.for %scan3A_54 = %scan3A_48 to %scan3A_50 step %scan3A_51 iter_args(%scan3A_55 = %scan3A_42, %scan3A_56 = %scan3A_43, %scan3A_57 = %scan3A_44) -> (i32, i32, vector<16xi32>)  : i32 {
          %mul3A_58 = arith.constant 16 : i32
          %mul3A_59 = arith.muli %scan3A_54, %mul3A_58 : i32
          %get3A = arith.index_cast %mul3A_59 : i32 to index
          %get3A_60 = tpu.vector_load %arg12[%get3A] {strides = array<i32>} : memref<2000xi32, #tpu.memory_space<vmem>>, vector<16xi32>,
          %get3A_61 = arith.index_cast %mul3A_59 : i32 to index
          %get3A_62 = tpu.vector_load %arg11[%get3A_61] {strides = array<i32>} : memref<2000xi32, #tpu.memory_space<vmem>>, vector<16xi32>,
          %sub3A = vector.broadcast %mul3A_12 : i32 to vector<16xi32>
          %sub3A_63 = arith.subi %get3A_62, %sub3A : vector<16xi32>
          %eq3A = vector.broadcast %add3A : i32 to vector<16xi32>
          %eq3A_64 = arith.cmpi eq, %get3A_60, %eq3A : vector<16xi32>
          %ge3A = arith.constant 0 : i32
          %ge3A_65 = vector.broadcast %ge3A : i32 to vector<16xi32>
          %ge3A_66 = arith.cmpi sge, %sub3A_63, %ge3A_65 : vector<16xi32>
          %and3A = arith.andi %eq3A_64, %ge3A_66 : vector<16xi1>
          %lt3A_67 = arith.constant 5120 : i32
          %lt3A_68 = vector.broadcast %lt3A_67 : i32 to vector<16xi32>
          %lt3A_69 = arith.cmpi slt, %sub3A_63, %lt3A_68 : vector<16xi32>
          %and3A_70 = arith.andi %and3A, %lt3A_69 : vector<16xi1>
          %get3A_71 = arith.index_cast %mul3A_59 : i32 to index
          %get3A_72 = tpu.vector_load %arg10[%get3A_71] {strides = array<i32>} : memref<2000xi32, #tpu.memory_space<vmem>>, vector<16xi32>,
          %mul3A_73 = arith.constant 10000 : i32
          %mul3A_74 = arith.muli %add3A, %mul3A_73 : i32
          %add3A_75 = vector.broadcast %mul3A_74 : i32 to vector<16xi32>
          %add3A_76 = arith.addi %get3A_72, %add3A_75 : vector<16xi32>
          %convert_element_type3A = arith.extui %and3A_70 : vector<16xi1> to vector<16xi32>
          %shift_left3A = arith.constant 13 : i32
          %shift_left3A_77 = vector.broadcast %shift_left3A : i32 to vector<16xi32>
          %shift_left3A_78 = arith.shli %add3A_76, %shift_left3A_77 : vector<16xi32>
          %add3A_79 = arith.addi %shift_left3A_78, %sub3A_63 : vector<16xi32>
          %jit3A_80 = arith.constant 5120 : i32
          %broadcast_in_dim3A_81 = vector.broadcast %jit3A_80 : i32 to vector<16xi32>
          %select_n3A_82 = arith.select %and3A_70, %add3A_79, %broadcast_in_dim3A_81 : vector<16xi1>, vector<16xi32>
          %masked_sort3A = arith.constant dense<true> : vector<16xi1>
          %masked_sort3A_83 = arith.constant -2147483648 : i32
          %masked_sort3A_84 = vector.broadcast %masked_sort3A_83 : i32 to vector<16xi32>
          %masked_sort3A_85 = arith.xori %convert_element_type3A, %masked_sort3A_84 : vector<16xi32>
          %masked_sort3A_86, %masked_sort3A_87, %masked_sort3A_88 = tpu.sort %masked_sort3A_85, %select_n3A_82 masked %masked_sort3A {descending = true} : (vector<16xi32>, vector<16xi32>, vector<16xi1>) -> (vector<16xi1>, vector<16xi32>, vector<16xi32>)
          %masked_sort3A_89 = arith.xori %masked_sort3A_87, %masked_sort3A_84 : vector<16xi32>
          %reduce_sum3A = arith.constant true
          %reduce_sum3A_90 = vector.broadcast %reduce_sum3A : i1 to vector<16xi1>
          %reduce_sum3A_91 = tpu.scan <sum>, %convert_element_type3A masked %reduce_sum3A_90 : vector<16xi32>, vector<16xi1> -> vector<16xi32>
          %reduce_sum3A_92 = vector.extract %reduce_sum3A_91[15] : i32 from vector<16xi32>
          %sub3A_93 = arith.constant 16 : i32
          %sub3A_94 = arith.subi %sub3A_93, %scan3A_56 : i32
          %add3A_95 = vector.broadcast %sub3A_94 : i32 to vector<16xi32>
          %add3A_96 = arith.addi %iota3A, %add3A_95 : vector<16xi32>
          %rem3A_97 = arith.constant 16 : i32
          %rem3A_98 = vector.broadcast %rem3A_97 : i32 to vector<16xi32>
          %rem3A_99 = arith.remsi %add3A_96, %rem3A_98 : vector<16xi32>
          %lt3A_100 = arith.constant 0 : i32
          %lt3A_101 = vector.broadcast %lt3A_100 : i32 to vector<16xi32>
          %lt3A_102 = arith.cmpi slt, %rem3A_99, %lt3A_101 : vector<16xi32>
          %add3A_103 = arith.constant 16 : i32
          %add3A_104 = vector.broadcast %add3A_103 : i32 to vector<16xi32>
          %add3A_105 = arith.addi %rem3A_99, %add3A_104 : vector<16xi32>
          %select_n3A_106 = arith.select %lt3A_102, %add3A_105, %rem3A_99 : vector<16xi1>, vector<16xi32>
          %reshape3A = vector.shape_cast %select_n3A_106 : vector<16xi32> to vector<16x1xi32>
          %gather3A = vector.shape_cast %reshape3A : vector<16x1xi32> to vector<16xi32>
          %gather3A_107 = tpu.dynamic_gather %masked_sort3A_88[%gather3A] in [0] : vector<16xi32>, vector<16xi32> -> vector<16xi32>
          %ge3A_108 = vector.broadcast %scan3A_56 : i32 to vector<16xi32>
          %ge3A_109 = arith.cmpi sge, %iota3A, %ge3A_108 : vector<16xi32>
          %select_n3A_110 = arith.select %ge3A_109, %gather3A_107, %scan3A_57 : vector<16xi1>, vector<16xi32>
          %mul3A_111 = arith.constant 16 : i32
          %mul3A_112 = arith.muli %scan3A_55, %mul3A_111 : i32
          %swap3A_113 = arith.index_cast %mul3A_112 : i32 to index
          %swap3A_114 = tpu.vector_load %arg13[%swap3A_113] {strides = array<i32>} : memref<20224xi32, #tpu.memory_space<vmem>>, vector<16xi32>,
          tpu.vector_store %arg13[%swap3A_113], %select_n3A_110 {strides = array<i32>} : memref<20224xi32, #tpu.memory_space<vmem>>, vector<16xi32>,
          %add3A_115 = arith.addi %scan3A_56, %reduce_sum3A_92 : i32
          %ge3A_116 = arith.constant 16 : i32
          %ge3A_117 = arith.cmpi sge, %add3A_115, %ge3A_116 : i32
          %convert_element_type3A_118 = arith.extui %ge3A_117 : i1 to i32
          %gt3A = arith.constant 0 : i32
          %gt3A_119 = arith.cmpi sgt, %convert_element_type3A_118, %gt3A : i32
          %select_n3A_120 = arith.select %gt3A_119, %gather3A_107, %select_n3A_110 : vector<16xi32>
          %add3A_121 = arith.addi %scan3A_55, %convert_element_type3A_118 : i32
          %mul3A_122 = arith.constant 16 : i32
          %mul3A_123 = arith.muli %convert_element_type3A_118, %mul3A_122 : i32
          %sub3A_124 = arith.subi %add3A_115, %mul3A_123 : i32
          scf.yield %add3A_121, %sub3A_124, %select_n3A_120 : i32, i32, vector<16xi32>
        }
        %scan3A_53 = arith.constant 125 : i32
        scf.yield %scan3A_52#0, %scan3A_52#1, %scan3A_52#2 : i32, i32, vector<16xi32>
      }
      %scan3A_23 = arith.constant 10 : i32
      %lt3A = vector.broadcast %scan3A_22#1 : i32 to vector<16xi32>
      %lt3A_24 = arith.cmpi slt, %iota3A, %lt3A : vector<16xi32>
      %jit3A = arith.constant 5120 : i32
      %broadcast_in_dim3A_25 = vector.broadcast %jit3A : i32 to vector<16xi32>
      %select_n3A = arith.select %lt3A_24, %scan3A_22#2, %broadcast_in_dim3A_25 : vector<16xi1>, vector<16xi32>
      %mul3A_26 = arith.constant 16 : i32
      %mul3A_27 = arith.muli %scan3A_22#0, %mul3A_26 : i32
      %swap3A = arith.index_cast %mul3A_27 : i32 to index
      %swap3A_28 = tpu.vector_load %arg13[%swap3A] {strides = array<i32>} : memref<20224xi32, #tpu.memory_space<vmem>>, vector<16xi32>,
      tpu.vector_store %arg13[%swap3A], %select_n3A {strides = array<i32>} : memref<20224xi32, #tpu.memory_space<vmem>>, vector<16xi32>,
      %scan3A_29 = arith.constant 0 : i32
      %scan3A_30 = arith.constant 0 : i32
      %scan3A_31 = arith.constant 1264 : i32
      %scan3A_32 = arith.addi %scan3A_30, %scan3A_31 : i32
      %scan3A_33 = arith.constant 1 : i32
      scf.for %scan3A_41 = %scan3A_30 to %scan3A_32 step %scan3A_33  : i32 {
        %le3A = arith.cmpi sle, %scan3A_41, %scan3A_22#0 : i32
        %convert_element_type3A = arith.extui %le3A : i1 to i32
        %cond3A = arith.constant 0 : i32
        %cond3A_42 = arith.cmpi ne, %convert_element_type3A, %cond3A : i32
        scf.if %cond3A_42 {
          %mul3A_43 = arith.constant 16 : i32
          %mul3A_44 = arith.muli %scan3A_41, %mul3A_43 : i32
          %get3A = arith.index_cast %mul3A_44 : i32 to index
          %get3A_45 = tpu.vector_load %arg13[%get3A] {strides = array<i32>} : memref<20224xi32, #tpu.memory_space<vmem>>, vector<16xi32>,
          %shift_right_logical3A = arith.constant 13 : i32
          %shift_right_logical3A_46 = vector.broadcast %shift_right_logical3A : i32 to vector<16xi32>
          %shift_right_logical3A_47 = arith.shrui %get3A_45, %shift_right_logical3A_46 : vector<16xi32>
          %and3A = arith.constant 8191 : i32
          %and3A_48 = vector.broadcast %and3A : i32 to vector<16xi32>
          %and3A_49 = arith.andi %get3A_45, %and3A_48 : vector<16xi32>
          %dma_start3A = arith.constant 0 : i32
          %dma_start3A_50 = arith.constant 0 : i32
          %dma_start3A_51 = tpu.memref_slice %arg2[%dma_start3A, %dma_start3A_50] : memref<40000x128xf32, #tpu.memory_space<hbm>> -> memref<40000x128xf32, #tpu.memory_space<hbm>>
          tpu.enqueue_indirect_dma source(%dma_start3A_51 : memref<40000x128xf32, #tpu.memory_space<hbm>>) target(%arg14 : memref<16x128xf32, #tpu.memory_space<vmem>>) offsets(%shift_right_logical3A_47 : vector<16xi32>) semaphore(%arg18 : memref<!tpu.dma_semaphore, #tpu.memory_space<semaphore_mem>>)
          %dma_wait3A = arith.constant 0 : i32
          %dma_wait3A_52 = arith.constant 0 : i32
          %dma_wait3A_53 = tpu.memref_slice %arg2[%dma_wait3A, %dma_wait3A_52] : memref<40000x128xf32, #tpu.memory_space<hbm>> -> memref<40000x128xf32, #tpu.memory_space<hbm>>
          tpu.wait_indirect_dma semaphore(%arg18 : memref<!tpu.dma_semaphore, #tpu.memory_space<semaphore_mem>>) src(%dma_wait3A_53 : memref<40000x128xf32, #tpu.memory_space<hbm>>) dst(%arg14 : memref<16x128xf32, #tpu.memory_space<vmem>>)
          "tpu.region"() ({
            %run_scoped3A = tpu.sem_alloc : memref<!tpu.dma_semaphore, #tpu.memory_space<semaphore_mem>>
            %dma_start3A_54 = arith.constant 0 : i32
            %dma_start3A_55 = arith.constant 0 : i32
            %dma_start3A_56 = tpu.memref_slice %arg16[%dma_start3A_54, %dma_start3A_55] : memref<5248x128xf32, #tpu.memory_space<vmem_shared>> -> memref<5248x128xf32, #tpu.memory_space<vmem_shared>>
            tpu.enqueue_indirect_dma source(%arg14 : memref<16x128xf32, #tpu.memory_space<vmem>>) target(%dma_start3A_56 : memref<5248x128xf32, #tpu.memory_space<vmem_shared>>) offsets(%and3A_49 : vector<16xi32>) semaphore(%run_scoped3A : memref<!tpu.dma_semaphore, #tpu.memory_space<semaphore_mem>>) {add = true}
            %dma_wait3A_57 = arith.constant 0 : i32
            %dma_wait3A_58 = arith.constant 0 : i32
            %dma_wait3A_59 = tpu.memref_slice %arg16[%dma_wait3A_57, %dma_wait3A_58] : memref<5248x128xf32, #tpu.memory_space<vmem_shared>> -> memref<5248x128xf32, #tpu.memory_space<vmem_shared>>
            tpu.wait_indirect_dma semaphore(%run_scoped3A : memref<!tpu.dma_semaphore, #tpu.memory_space<semaphore_mem>>) src(%arg14 : memref<16x128xf32, #tpu.memory_space<vmem>>) dst(%dma_wait3A_59 : memref<5248x128xf32, #tpu.memory_space<vmem_shared>>)
            tpu.yield
          }) : () -> ()
        } else {
        }
      }
      %scan3A_34 = arith.constant 1264 : i32
      %barrier3A_35 = arith.constant 0 : index
      tpu.barrier barrier_id(%barrier3A_35)
      %mul3A_36 = arith.constant 328 : i32
      %mul3A_37 = arith.muli %arg1, %mul3A_36 : i32
      %mul3A_38 = arith.constant 328 : i32
      %mul3A_39 = arith.muli %arg1, %mul3A_38 : i32
      "tpu.region"() ({
        %run_scoped3A = tpu.sem_alloc : memref<!tpu.dma_semaphore, #tpu.memory_space<semaphore_mem>>
        %dma_start3A = arith.constant 0 : i32
        %dma_start3A_41 = tpu.memref_slice %arg8[%add3A, %rem3A_10, %mul3A_39, %dma_start3A] : memref<4x2x5248x128xf32, #tpu.memory_space<hbm>> -> memref<1x1x328x128xf32, #tpu.memory_space<hbm>>
        %dma_start3A_42 = tpu.memref_squeeze %dma_start3A_41 : memref<1x1x328x128xf32, #tpu.memory_space<hbm>> -> memref<328x128xf32, #tpu.memory_space<hbm>>
        %dma_start3A_43 = arith.constant 0 : i32
        %dma_start3A_44 = tpu.memref_slice %arg16[%mul3A_37, %dma_start3A_43] : memref<5248x128xf32, #tpu.memory_space<vmem_shared>> -> memref<328x128xf32, #tpu.memory_space<vmem_shared>>
        tpu.enqueue_dma source(%dma_start3A_44 : memref<328x128xf32, #tpu.memory_space<vmem_shared>>) target(%dma_start3A_42 : memref<328x128xf32, #tpu.memory_space<hbm>>) target_semaphore(%run_scoped3A : memref<!tpu.dma_semaphore, #tpu.memory_space<semaphore_mem>>)
        %dma_wait3A = arith.constant 0 : i32
        %dma_wait3A_45 = tpu.memref_slice %arg8[%add3A, %rem3A_10, %mul3A_39, %dma_wait3A] : memref<4x2x5248x128xf32, #tpu.memory_space<hbm>> -> memref<1x1x328x128xf32, #tpu.memory_space<hbm>>
        %dma_wait3A_46 = tpu.memref_squeeze %dma_wait3A_45 : memref<1x1x328x128xf32, #tpu.memory_space<hbm>> -> memref<328x128xf32, #tpu.memory_space<hbm>>
        %dma_wait3A_47 = arith.constant 0 : i32
        %dma_wait3A_48 = tpu.memref_slice %arg16[%mul3A_37, %dma_wait3A_47] : memref<5248x128xf32, #tpu.memory_space<vmem_shared>> -> memref<328x128xf32, #tpu.memory_space<vmem_shared>>
        tpu.wait_dma2 semaphore(%run_scoped3A : memref<!tpu.dma_semaphore, #tpu.memory_space<semaphore_mem>>) src(%dma_wait3A_48 : memref<328x128xf32, #tpu.memory_space<vmem_shared>>) dst(%dma_wait3A_46 : memref<328x128xf32, #tpu.memory_space<hbm>>)
        tpu.yield
      }) : () -> ()
      %barrier3A_40 = arith.constant 0 : index
      tpu.barrier barrier_id(%barrier3A_40)
    }
    %scan3A_5 = arith.constant 4 : i32
    return
  }
}

module attributes {stable_mosaic.version = 14 : i64} {
  func.func @mk(%arg0: i32, %arg1: i32, %arg2: memref<1000x128xf32, #tpu.memory_space<vmem>>, %arg3: memref<1x128x128xf32, #tpu.memory_space<vmem>>, %arg4: memref<1000x128xf32, #tpu.memory_space<vmem>>) attributes {dimension_semantics = [#tpu.dimension_semantics<arbitrary>, #tpu.dimension_semantics<arbitrary>], iteration_bounds = array<i64: 10, 8>, scalar_prefetch = 0 : i64, scratch_operands = 0 : i64, tpu.core_type = #tpu.core_type<tc>, window_params = [{transform_indices = @transform_0, window_bounds = array<i64: 1000, 128>}, {transform_indices = @transform_1, window_bounds = array<i64: 1, 128, 128>}, {transform_indices = @transform_2, window_bounds = array<i64: 1000, 128>}]} {
    %get3A = arith.constant 0 : index
    %get3A_0 = arith.constant 0 : index
    %get3A_1 = vector.load %arg2[%get3A, %get3A_0] : memref<1000x128xf32, #tpu.memory_space<vmem>>, vector<1000x128xf32>
    %get3A_2 = arith.constant 0 : index
    %get3A_3 = arith.constant 0 : index
    %get3A_4 = arith.constant 0 : index
    %get3A_5 = vector.load %arg3[%get3A_2, %get3A_3, %get3A_4] : memref<1x128x128xf32, #tpu.memory_space<vmem>>, vector<1x128x128xf32>
    %get3A_6 = vector.shape_cast %get3A_5 : vector<1x128x128xf32> to vector<128x128xf32>
    %dot_general3A = arith.constant dense<0.000000e+00> : vector<1000x128xf32>
    %dot_general3A_7 = tpu.matmul %get3A_1, %get3A_6, %dot_general3A {dimension_numbers = #tpu.dot_dimension_numbers<[1], [0], [0], [1], [0, 0, 1, 1], [], []>, transpose_lhs_hint = false} : vector<1000x128xf32>, vector<128x128xf32>, vector<1000x128xf32> -> vector<1000x128xf32>
    %swap3A = arith.constant 0 : index
    %swap3A_8 = arith.constant 0 : index
    %swap3A_9 = vector.load %arg4[%swap3A, %swap3A_8] : memref<1000x128xf32, #tpu.memory_space<vmem>>, vector<1000x128xf32>
    tpu.vector_store %arg4[%swap3A, %swap3A_8], %dot_general3A_7 {strides = array<i32>} : memref<1000x128xf32, #tpu.memory_space<vmem>>, vector<1000x128xf32>,
    return
  }
  func.func @transform_0(%arg0: i32, %arg1: i32) -> (i32, i32) {
    %c0_i32 = arith.constant 0 : i32
    %c0_i32_0 = arith.constant 0 : i32
    return %arg0, %c0_i32 : i32, i32
  }
  func.func @transform_1(%arg0: i32, %arg1: i32) -> (i32, i32, i32) {
    %c0_i32 = arith.constant 0 : i32
    %c0_i32_0 = arith.constant 0 : i32
    %c0_i32_1 = arith.constant 0 : i32
    return %arg1, %c0_i32, %c0_i32_0 : i32, i32, i32
  }
  func.func @transform_2(%arg0: i32, %arg1: i32) -> (i32, i32) {
    %mul3A = arith.constant 10 : i32
    %mul3A_0 = arith.muli %arg1, %mul3A : i32
    %add3A = arith.addi %mul3A_0, %arg0 : i32
    %c0_i32 = arith.constant 0 : i32
    %c0_i32_1 = arith.constant 0 : i32
    return %add3A, %c0_i32 : i32, i32
  }
}

module attributes {stable_mosaic.version = 14 : i64} {
  func.func @fk(%arg0: i32, %arg1: i32, %arg2: memref<1x1x80x128xf32, #tpu.memory_space<vmem>>, %arg3: memref<1x1x80x128xf32, #tpu.memory_space<vmem>>, %arg4: memref<80x128xf32, #tpu.memory_space<vmem>>, %arg5: memref<1x1x128xf32, #tpu.memory_space<vmem>>, %arg6: memref<80x128xf32, #tpu.memory_space<vmem>>) attributes {dimension_semantics = [#tpu.dimension_semantics<arbitrary>, #tpu.dimension_semantics<arbitrary>], iteration_bounds = array<i64: 4, 125>, scalar_prefetch = 0 : i64, scratch_operands = 0 : i64, tpu.core_type = #tpu.core_type<tc>, window_params = [{transform_indices = @transform_0, window_bounds = array<i64: 1, 1, 80, 128>}, {transform_indices = @transform_1, window_bounds = array<i64: 1, 1, 80, 128>}, {transform_indices = @transform_2, window_bounds = array<i64: 80, 128>}, {transform_indices = @transform_3, window_bounds = array<i64: 1, 1, 128>}, {transform_indices = @transform_4, window_bounds = array<i64: 80, 128>}]} {
    %get3A = arith.constant 0 : index
    %get3A_0 = arith.constant 0 : index
    %get3A_1 = arith.constant 0 : index
    %get3A_2 = arith.constant 0 : index
    %get3A_3 = vector.load %arg3[%get3A, %get3A_0, %get3A_1, %get3A_2] : memref<1x1x80x128xf32, #tpu.memory_space<vmem>>, vector<1x1x80x1xf32>
    %get3A_4 = vector.shape_cast %get3A_3 : vector<1x1x80x1xf32> to vector<80x1xf32>
    %max3A = arith.constant 1.000000e+00 : f32
    %max3A_5 = vector.broadcast %max3A : f32 to vector<80x1xf32>
    %max3A_6 = arith.maximumf %get3A_4, %max3A_5 : vector<80x1xf32>
    %get3A_7 = arith.constant 0 : index
    %get3A_8 = arith.constant 0 : index
    %get3A_9 = arith.constant 0 : index
    %get3A_10 = arith.constant 0 : index
    %get3A_11 = vector.load %arg2[%get3A_7, %get3A_8, %get3A_9, %get3A_10] : memref<1x1x80x128xf32, #tpu.memory_space<vmem>>, vector<1x1x80x128xf32>
    %get3A_12 = vector.shape_cast %get3A_11 : vector<1x1x80x128xf32> to vector<80x128xf32>
    %div3A = vector.broadcast %max3A_6 : vector<80x1xf32> to vector<80x128xf32>
    %div3A_13 = arith.divf %get3A_12, %div3A : vector<80x128xf32>
    %get3A_14 = arith.constant 0 : index
    %get3A_15 = arith.constant 0 : index
    %get3A_16 = vector.load %arg4[%get3A_14, %get3A_15] : memref<80x128xf32, #tpu.memory_space<vmem>>, vector<80x128xf32>
    %add3A = arith.addf %div3A_13, %get3A_16 : vector<80x128xf32>
    %get3A_17 = arith.constant 0 : index
    %get3A_18 = arith.constant 0 : index
    %get3A_19 = arith.constant 0 : index
    %get3A_20 = vector.load %arg5[%get3A_17, %get3A_18, %get3A_19] : memref<1x1x128xf32, #tpu.memory_space<vmem>>, vector<1x1x128xf32>
    %get3A_21 = vector.shape_cast %get3A_20 : vector<1x1x128xf32> to vector<1x128xf32>
    %add3A_22 = vector.broadcast %get3A_21 : vector<1x128xf32> to vector<80x128xf32>
    %add3A_23 = arith.addf %add3A, %add3A_22 : vector<80x128xf32>
    %max3A_24 = arith.constant 0.000000e+00 : f32
    %max3A_25 = vector.broadcast %max3A_24 : f32 to vector<80x128xf32>
    %max3A_26 = arith.maximumf %add3A_23, %max3A_25 : vector<80x128xf32>
    %swap3A = arith.constant 0 : index
    %swap3A_27 = arith.constant 0 : index
    %swap3A_28 = vector.load %arg6[%swap3A, %swap3A_27] : memref<80x128xf32, #tpu.memory_space<vmem>>, vector<80x128xf32>
    tpu.vector_store %arg6[%swap3A, %swap3A_27], %max3A_26 {strides = array<i32>} : memref<80x128xf32, #tpu.memory_space<vmem>>, vector<80x128xf32>,
    return
  }
  func.func @transform_0(%arg0: i32, %arg1: i32) -> (i32, i32, i32, i32) {
    %jit3A = arith.constant 32 : i32
    %div3A = arith.divsi %arg1, %jit3A : i32
    %sign3A = arith.constant 0 : i32
    %sign3A_0 = arith.cmpi sgt, %arg1, %sign3A : i32
    %sign3A_1 = arith.extui %sign3A_0 : i1 to i32
    %sign3A_2 = arith.constant 0 : i32
    %sign3A_3 = arith.cmpi slt, %arg1, %sign3A_2 : i32
    %sign3A_4 = arith.extui %sign3A_3 : i1 to i32
    %sign3A_5 = arith.subi %sign3A_1, %sign3A_4 : i32
    %sign3A_6 = arith.constant 0 : i32
    %sign3A_7 = arith.cmpi sgt, %jit3A, %sign3A_6 : i32
    %sign3A_8 = arith.extui %sign3A_7 : i1 to i32
    %sign3A_9 = arith.constant 0 : i32
    %sign3A_10 = arith.cmpi slt, %jit3A, %sign3A_9 : i32
    %sign3A_11 = arith.extui %sign3A_10 : i1 to i32
    %sign3A_12 = arith.subi %sign3A_8, %sign3A_11 : i32
    %ne3A = arith.cmpi ne, %sign3A_5, %sign3A_12 : i32
    %rem3A = arith.remsi %arg1, %jit3A : i32
    %ne3A_13 = arith.constant 0 : i32
    %ne3A_14 = arith.cmpi ne, %rem3A, %ne3A_13 : i32
    %and3A = arith.andi %ne3A, %ne3A_14 : i1
    %sub3A = arith.constant 1 : i32
    %sub3A_15 = arith.subi %div3A, %sub3A : i32
    %select_n3A = arith.select %and3A, %sub3A_15, %div3A : i32
    %jit3A_16 = arith.constant 32 : i32
    %eq3A = arith.constant 0 : i32
    %eq3A_17 = arith.cmpi eq, %jit3A_16, %eq3A : i32
    %jit3A_18 = arith.constant 1 : i32
    %select_n3A_19 = arith.select %eq3A_17, %jit3A_18, %jit3A_16 : i32
    %rem3A_20 = arith.remsi %arg1, %select_n3A_19 : i32
    %ne3A_21 = arith.constant 0 : i32
    %ne3A_22 = arith.cmpi ne, %rem3A_20, %ne3A_21 : i32
    %lt3A = arith.constant 0 : i32
    %lt3A_23 = arith.cmpi slt, %rem3A_20, %lt3A : i32
    %lt3A_24 = arith.constant 0 : i32
    %lt3A_25 = arith.cmpi slt, %select_n3A_19, %lt3A_24 : i32
    %ne3A_26 = arith.xori %lt3A_23, %lt3A_25 : i1
    %and3A_27 = arith.andi %ne3A_26, %ne3A_22 : i1
    %add3A = arith.addi %rem3A_20, %select_n3A_19 : i32
    %select_n3A_28 = arith.select %and3A_27, %add3A, %rem3A_20 : i32
    %c0_i32 = arith.constant 0 : i32
    %c0_i32_29 = arith.constant 0 : i32
    return %arg0, %select_n3A, %select_n3A_28, %c0_i32 : i32, i32, i32, i32
  }
  func.func @transform_1(%arg0: i32, %arg1: i32) -> (i32, i32, i32, i32) {
    %jit3A = arith.constant 32 : i32
    %div3A = arith.divsi %arg1, %jit3A : i32
    %sign3A = arith.constant 0 : i32
    %sign3A_0 = arith.cmpi sgt, %arg1, %sign3A : i32
    %sign3A_1 = arith.extui %sign3A_0 : i1 to i32
    %sign3A_2 = arith.constant 0 : i32
    %sign3A_3 = arith.cmpi slt, %arg1, %sign3A_2 : i32
    %sign3A_4 = arith.extui %sign3A_3 : i1 to i32
    %sign3A_5 = arith.subi %sign3A_1, %sign3A_4 : i32
    %sign3A_6 = arith.constant 0 : i32
    %sign3A_7 = arith.cmpi sgt, %jit3A, %sign3A_6 : i32
    %sign3A_8 = arith.extui %sign3A_7 : i1 to i32
    %sign3A_9 = arith.constant 0 : i32
    %sign3A_10 = arith.cmpi slt, %jit3A, %sign3A_9 : i32
    %sign3A_11 = arith.extui %sign3A_10 : i1 to i32
    %sign3A_12 = arith.subi %sign3A_8, %sign3A_11 : i32
    %ne3A = arith.cmpi ne, %sign3A_5, %sign3A_12 : i32
    %rem3A = arith.remsi %arg1, %jit3A : i32
    %ne3A_13 = arith.constant 0 : i32
    %ne3A_14 = arith.cmpi ne, %rem3A, %ne3A_13 : i32
    %and3A = arith.andi %ne3A, %ne3A_14 : i1
    %sub3A = arith.constant 1 : i32
    %sub3A_15 = arith.subi %div3A, %sub3A : i32
    %select_n3A = arith.select %and3A, %sub3A_15, %div3A : i32
    %jit3A_16 = arith.constant 32 : i32
    %eq3A = arith.constant 0 : i32
    %eq3A_17 = arith.cmpi eq, %jit3A_16, %eq3A : i32
    %jit3A_18 = arith.constant 1 : i32
    %select_n3A_19 = arith.select %eq3A_17, %jit3A_18, %jit3A_16 : i32
    %rem3A_20 = arith.remsi %arg1, %select_n3A_19 : i32
    %ne3A_21 = arith.constant 0 : i32
    %ne3A_22 = arith.cmpi ne, %rem3A_20, %ne3A_21 : i32
    %lt3A = arith.constant 0 : i32
    %lt3A_23 = arith.cmpi slt, %rem3A_20, %lt3A : i32
    %lt3A_24 = arith.constant 0 : i32
    %lt3A_25 = arith.cmpi slt, %select_n3A_19, %lt3A_24 : i32
    %ne3A_26 = arith.xori %lt3A_23, %lt3A_25 : i1
    %and3A_27 = arith.andi %ne3A_26, %ne3A_22 : i1
    %add3A = arith.addi %rem3A_20, %select_n3A_19 : i32
    %select_n3A_28 = arith.select %and3A_27, %add3A, %rem3A_20 : i32
    %c0_i32 = arith.constant 0 : i32
    %c0_i32_29 = arith.constant 0 : i32
    return %arg0, %select_n3A, %select_n3A_28, %c0_i32 : i32, i32, i32, i32
  }
  func.func @transform_2(%arg0: i32, %arg1: i32) -> (i32, i32) {
    %mul3A = arith.constant 125 : i32
    %mul3A_0 = arith.muli %arg0, %mul3A : i32
    %add3A = arith.addi %mul3A_0, %arg1 : i32
    %c0_i32 = arith.constant 0 : i32
    %c0_i32_1 = arith.constant 0 : i32
    return %add3A, %c0_i32 : i32, i32
  }
  func.func @transform_3(%arg0: i32, %arg1: i32) -> (i32, i32, i32) {
    %c0_i32 = arith.constant 0 : i32
    %c0_i32_0 = arith.constant 0 : i32
    %c0_i32_1 = arith.constant 0 : i32
    return %arg0, %c0_i32, %c0_i32_0 : i32, i32, i32
  }
  func.func @transform_4(%arg0: i32, %arg1: i32) -> (i32, i32) {
    %c0_i32 = arith.constant 0 : i32
    return %arg1, %arg0 : i32, i32
  }
}

module attributes {stable_mosaic.version = 14 : i64} {
  func.func @mk(%arg0: i32, %arg1: i32, %arg2: memref<1000x512xf32, #tpu.memory_space<vmem>>, %arg3: memref<1x512x128xf32, #tpu.memory_space<vmem>>, %arg4: memref<1000x128xf32, #tpu.memory_space<vmem>>) attributes {dimension_semantics = [#tpu.dimension_semantics<arbitrary>, #tpu.dimension_semantics<arbitrary>], iteration_bounds = array<i64: 10, 8>, scalar_prefetch = 0 : i64, scratch_operands = 0 : i64, tpu.core_type = #tpu.core_type<tc>, window_params = [{transform_indices = @transform_0, window_bounds = array<i64: 1000, 512>}, {transform_indices = @transform_1, window_bounds = array<i64: 1, 512, 128>}, {transform_indices = @transform_2, window_bounds = array<i64: 1000, 128>}]} {
    %get3A = arith.constant 0 : index
    %get3A_0 = arith.constant 0 : index
    %get3A_1 = vector.load %arg2[%get3A, %get3A_0] : memref<1000x512xf32, #tpu.memory_space<vmem>>, vector<1000x512xf32>
    %get3A_2 = arith.constant 0 : index
    %get3A_3 = arith.constant 0 : index
    %get3A_4 = arith.constant 0 : index
    %get3A_5 = vector.load %arg3[%get3A_2, %get3A_3, %get3A_4] : memref<1x512x128xf32, #tpu.memory_space<vmem>>, vector<1x512x128xf32>
    %get3A_6 = vector.shape_cast %get3A_5 : vector<1x512x128xf32> to vector<512x128xf32>
    %dot_general3A = arith.constant dense<0.000000e+00> : vector<1000x128xf32>
    %dot_general3A_7 = tpu.matmul %get3A_1, %get3A_6, %dot_general3A {dimension_numbers = #tpu.dot_dimension_numbers<[1], [0], [0], [1], [0, 0, 1, 1], [], []>, transpose_lhs_hint = false} : vector<1000x512xf32>, vector<512x128xf32>, vector<1000x128xf32> -> vector<1000x128xf32>
    %swap3A = arith.constant 0 : index
    %swap3A_8 = arith.constant 0 : index
    %swap3A_9 = vector.load %arg4[%swap3A, %swap3A_8] : memref<1000x128xf32, #tpu.memory_space<vmem>>, vector<1000x128xf32>
    tpu.vector_store %arg4[%swap3A, %swap3A_8], %dot_general3A_7 {strides = array<i32>} : memref<1000x128xf32, #tpu.memory_space<vmem>>, vector<1000x128xf32>,
    return
  }
  func.func @transform_0(%arg0: i32, %arg1: i32) -> (i32, i32) {
    %c0_i32 = arith.constant 0 : i32
    %c0_i32_0 = arith.constant 0 : i32
    return %arg0, %c0_i32 : i32, i32
  }
  func.func @transform_1(%arg0: i32, %arg1: i32) -> (i32, i32, i32) {
    %c0_i32 = arith.constant 0 : i32
    %c0_i32_0 = arith.constant 0 : i32
    %c0_i32_1 = arith.constant 0 : i32
    return %arg1, %c0_i32, %c0_i32_0 : i32, i32, i32
  }
  func.func @transform_2(%arg0: i32, %arg1: i32) -> (i32, i32) {
    %mul3A = arith.constant 10 : i32
    %mul3A_0 = arith.muli %arg1, %mul3A : i32
    %add3A = arith.addi %mul3A_0, %arg0 : i32
    %c0_i32 = arith.constant 0 : i32
    %c0_i32_1 = arith.constant 0 : i32
    return %add3A, %c0_i32 : i32, i32
  }
}

module attributes {stable_mosaic.version = 14 : i64} {
  func.func @fk(%arg0: i32, %arg1: i32, %arg2: memref<1x1x80x128xf32, #tpu.memory_space<vmem>>, %arg3: memref<1x1x80x128xf32, #tpu.memory_space<vmem>>, %arg4: memref<80x128xf32, #tpu.memory_space<vmem>>, %arg5: memref<1x1x128xf32, #tpu.memory_space<vmem>>, %arg6: memref<80x128xf32, #tpu.memory_space<vmem>>) attributes {dimension_semantics = [#tpu.dimension_semantics<arbitrary>, #tpu.dimension_semantics<arbitrary>], iteration_bounds = array<i64: 4, 125>, scalar_prefetch = 0 : i64, scratch_operands = 0 : i64, tpu.core_type = #tpu.core_type<tc>, window_params = [{transform_indices = @transform_0, window_bounds = array<i64: 1, 1, 80, 128>}, {transform_indices = @transform_1, window_bounds = array<i64: 1, 1, 80, 128>}, {transform_indices = @transform_2, window_bounds = array<i64: 80, 128>}, {transform_indices = @transform_3, window_bounds = array<i64: 1, 1, 128>}, {transform_indices = @transform_4, window_bounds = array<i64: 80, 128>}]} {
    %get3A = arith.constant 0 : index
    %get3A_0 = arith.constant 0 : index
    %get3A_1 = arith.constant 0 : index
    %get3A_2 = arith.constant 0 : index
    %get3A_3 = vector.load %arg3[%get3A, %get3A_0, %get3A_1, %get3A_2] : memref<1x1x80x128xf32, #tpu.memory_space<vmem>>, vector<1x1x80x1xf32>
    %get3A_4 = vector.shape_cast %get3A_3 : vector<1x1x80x1xf32> to vector<80x1xf32>
    %max3A = arith.constant 1.000000e+00 : f32
    %max3A_5 = vector.broadcast %max3A : f32 to vector<80x1xf32>
    %max3A_6 = arith.maximumf %get3A_4, %max3A_5 : vector<80x1xf32>
    %get3A_7 = arith.constant 0 : index
    %get3A_8 = arith.constant 0 : index
    %get3A_9 = arith.constant 0 : index
    %get3A_10 = arith.constant 0 : index
    %get3A_11 = vector.load %arg2[%get3A_7, %get3A_8, %get3A_9, %get3A_10] : memref<1x1x80x128xf32, #tpu.memory_space<vmem>>, vector<1x1x80x128xf32>
    %get3A_12 = vector.shape_cast %get3A_11 : vector<1x1x80x128xf32> to vector<80x128xf32>
    %div3A = vector.broadcast %max3A_6 : vector<80x1xf32> to vector<80x128xf32>
    %div3A_13 = arith.divf %get3A_12, %div3A : vector<80x128xf32>
    %get3A_14 = arith.constant 0 : index
    %get3A_15 = arith.constant 0 : index
    %get3A_16 = vector.load %arg4[%get3A_14, %get3A_15] : memref<80x128xf32, #tpu.memory_space<vmem>>, vector<80x128xf32>
    %add3A = arith.addf %div3A_13, %get3A_16 : vector<80x128xf32>
    %get3A_17 = arith.constant 0 : index
    %get3A_18 = arith.constant 0 : index
    %get3A_19 = arith.constant 0 : index
    %get3A_20 = vector.load %arg5[%get3A_17, %get3A_18, %get3A_19] : memref<1x1x128xf32, #tpu.memory_space<vmem>>, vector<1x1x128xf32>
    %get3A_21 = vector.shape_cast %get3A_20 : vector<1x1x128xf32> to vector<1x128xf32>
    %add3A_22 = vector.broadcast %get3A_21 : vector<1x128xf32> to vector<80x128xf32>
    %add3A_23 = arith.addf %add3A, %add3A_22 : vector<80x128xf32>
    %max3A_24 = arith.constant 0.000000e+00 : f32
    %max3A_25 = vector.broadcast %max3A_24 : f32 to vector<80x128xf32>
    %max3A_26 = arith.maximumf %add3A_23, %max3A_25 : vector<80x128xf32>
    %swap3A = arith.constant 0 : index
    %swap3A_27 = arith.constant 0 : index
    %swap3A_28 = vector.load %arg6[%swap3A, %swap3A_27] : memref<80x128xf32, #tpu.memory_space<vmem>>, vector<80x128xf32>
    tpu.vector_store %arg6[%swap3A, %swap3A_27], %max3A_26 {strides = array<i32>} : memref<80x128xf32, #tpu.memory_space<vmem>>, vector<80x128xf32>,
    return
  }
  func.func @transform_0(%arg0: i32, %arg1: i32) -> (i32, i32, i32, i32) {
    %jit3A = arith.constant 64 : i32
    %div3A = arith.divsi %arg1, %jit3A : i32
    %sign3A = arith.constant 0 : i32
    %sign3A_0 = arith.cmpi sgt, %arg1, %sign3A : i32
    %sign3A_1 = arith.extui %sign3A_0 : i1 to i32
    %sign3A_2 = arith.constant 0 : i32
    %sign3A_3 = arith.cmpi slt, %arg1, %sign3A_2 : i32
    %sign3A_4 = arith.extui %sign3A_3 : i1 to i32
    %sign3A_5 = arith.subi %sign3A_1, %sign3A_4 : i32
    %sign3A_6 = arith.constant 0 : i32
    %sign3A_7 = arith.cmpi sgt, %jit3A, %sign3A_6 : i32
    %sign3A_8 = arith.extui %sign3A_7 : i1 to i32
    %sign3A_9 = arith.constant 0 : i32
    %sign3A_10 = arith.cmpi slt, %jit3A, %sign3A_9 : i32
    %sign3A_11 = arith.extui %sign3A_10 : i1 to i32
    %sign3A_12 = arith.subi %sign3A_8, %sign3A_11 : i32
    %ne3A = arith.cmpi ne, %sign3A_5, %sign3A_12 : i32
    %rem3A = arith.remsi %arg1, %jit3A : i32
    %ne3A_13 = arith.constant 0 : i32
    %ne3A_14 = arith.cmpi ne, %rem3A, %ne3A_13 : i32
    %and3A = arith.andi %ne3A, %ne3A_14 : i1
    %sub3A = arith.constant 1 : i32
    %sub3A_15 = arith.subi %div3A, %sub3A : i32
    %select_n3A = arith.select %and3A, %sub3A_15, %div3A : i32
    %jit3A_16 = arith.constant 64 : i32
    %eq3A = arith.constant 0 : i32
    %eq3A_17 = arith.cmpi eq, %jit3A_16, %eq3A : i32
    %jit3A_18 = arith.constant 1 : i32
    %select_n3A_19 = arith.select %eq3A_17, %jit3A_18, %jit3A_16 : i32
    %rem3A_20 = arith.remsi %arg1, %select_n3A_19 : i32
    %ne3A_21 = arith.constant 0 : i32
    %ne3A_22 = arith.cmpi ne, %rem3A_20, %ne3A_21 : i32
    %lt3A = arith.constant 0 : i32
    %lt3A_23 = arith.cmpi slt, %rem3A_20, %lt3A : i32
    %lt3A_24 = arith.constant 0 : i32
    %lt3A_25 = arith.cmpi slt, %select_n3A_19, %lt3A_24 : i32
    %ne3A_26 = arith.xori %lt3A_23, %lt3A_25 : i1
    %and3A_27 = arith.andi %ne3A_26, %ne3A_22 : i1
    %add3A = arith.addi %rem3A_20, %select_n3A_19 : i32
    %select_n3A_28 = arith.select %and3A_27, %add3A, %rem3A_20 : i32
    %c0_i32 = arith.constant 0 : i32
    %c0_i32_29 = arith.constant 0 : i32
    return %arg0, %select_n3A, %select_n3A_28, %c0_i32 : i32, i32, i32, i32
  }
  func.func @transform_1(%arg0: i32, %arg1: i32) -> (i32, i32, i32, i32) {
    %jit3A = arith.constant 32 : i32
    %div3A = arith.divsi %arg1, %jit3A : i32
    %sign3A = arith.constant 0 : i32
    %sign3A_0 = arith.cmpi sgt, %arg1, %sign3A : i32
    %sign3A_1 = arith.extui %sign3A_0 : i1 to i32
    %sign3A_2 = arith.constant 0 : i32
    %sign3A_3 = arith.cmpi slt, %arg1, %sign3A_2 : i32
    %sign3A_4 = arith.extui %sign3A_3 : i1 to i32
    %sign3A_5 = arith.subi %sign3A_1, %sign3A_4 : i32
    %sign3A_6 = arith.constant 0 : i32
    %sign3A_7 = arith.cmpi sgt, %jit3A, %sign3A_6 : i32
    %sign3A_8 = arith.extui %sign3A_7 : i1 to i32
    %sign3A_9 = arith.constant 0 : i32
    %sign3A_10 = arith.cmpi slt, %jit3A, %sign3A_9 : i32
    %sign3A_11 = arith.extui %sign3A_10 : i1 to i32
    %sign3A_12 = arith.subi %sign3A_8, %sign3A_11 : i32
    %ne3A = arith.cmpi ne, %sign3A_5, %sign3A_12 : i32
    %rem3A = arith.remsi %arg1, %jit3A : i32
    %ne3A_13 = arith.constant 0 : i32
    %ne3A_14 = arith.cmpi ne, %rem3A, %ne3A_13 : i32
    %and3A = arith.andi %ne3A, %ne3A_14 : i1
    %sub3A = arith.constant 1 : i32
    %sub3A_15 = arith.subi %div3A, %sub3A : i32
    %select_n3A = arith.select %and3A, %sub3A_15, %div3A : i32
    %jit3A_16 = arith.constant 32 : i32
    %eq3A = arith.constant 0 : i32
    %eq3A_17 = arith.cmpi eq, %jit3A_16, %eq3A : i32
    %jit3A_18 = arith.constant 1 : i32
    %select_n3A_19 = arith.select %eq3A_17, %jit3A_18, %jit3A_16 : i32
    %rem3A_20 = arith.remsi %arg1, %select_n3A_19 : i32
    %ne3A_21 = arith.constant 0 : i32
    %ne3A_22 = arith.cmpi ne, %rem3A_20, %ne3A_21 : i32
    %lt3A = arith.constant 0 : i32
    %lt3A_23 = arith.cmpi slt, %rem3A_20, %lt3A : i32
    %lt3A_24 = arith.constant 0 : i32
    %lt3A_25 = arith.cmpi slt, %select_n3A_19, %lt3A_24 : i32
    %ne3A_26 = arith.xori %lt3A_23, %lt3A_25 : i1
    %and3A_27 = arith.andi %ne3A_26, %ne3A_22 : i1
    %add3A = arith.addi %rem3A_20, %select_n3A_19 : i32
    %select_n3A_28 = arith.select %and3A_27, %add3A, %rem3A_20 : i32
    %c0_i32 = arith.constant 0 : i32
    %c0_i32_29 = arith.constant 0 : i32
    return %arg0, %select_n3A, %select_n3A_28, %c0_i32 : i32, i32, i32, i32
  }
  func.func @transform_2(%arg0: i32, %arg1: i32) -> (i32, i32) {
    %mul3A = arith.constant 125 : i32
    %mul3A_0 = arith.muli %arg0, %mul3A : i32
    %add3A = arith.addi %mul3A_0, %arg1 : i32
    %c0_i32 = arith.constant 0 : i32
    %c0_i32_1 = arith.constant 0 : i32
    return %add3A, %c0_i32 : i32, i32
  }
  func.func @transform_3(%arg0: i32, %arg1: i32) -> (i32, i32, i32) {
    %c0_i32 = arith.constant 0 : i32
    %c0_i32_0 = arith.constant 0 : i32
    %c0_i32_1 = arith.constant 0 : i32
    return %arg0, %c0_i32, %c0_i32_0 : i32, i32, i32
  }
  func.func @transform_4(%arg0: i32, %arg1: i32) -> (i32, i32) {
    %c0_i32 = arith.constant 0 : i32
    return %arg1, %arg0 : i32, i32
  }
}

</mosaic_0001>

<sc_bundles>
// kernel: kernel.11.cloned.1.call-start
scs
__scs_entry_jumppad:
0x0: {  	(pc) =	sbr.rel $0x88, $3  }
0x1: {  	(tag) =	ssettag $0x0;
	lr =	simm.s32 $0x1  }
0x2: {  	[smem:$0x3F98] =	sst lr;
	_ =	strace $0xD0000000  }
0x3: {  	_ = 	snop  }
0x4: {  	_ = 	snop  }
0x5: {  	_ = 	snop  }
0x6: {  	_ = 	snop  }
0x7: {  	_ = 	snop  }
__scs_overlays_trampoline_lowered:
0x8: {  	[smem:$0x3FA7] =	sst s0  }
0x9: {  	[smem:$0x3FA8] =	sst s1  }
0xa: {  	[smem:$0x3FA9] =	sst s2  }
0xb: {  	[smem:$0x3FAA] =	sst s3  }
0xc: {  	[smem:$0x3FAB] =	sst s4  }
0xd: {  	[smem:$0x3FAC] =	sst s5  }
0xe: {  	[smem:$0x3FAD] =	sst s6  }
0xf: {  	[smem:$0x3FAE] =	sst s7  }
0x10: {  	[smem:$0x3FAF] =	sst s8  }
0x11: {  	[smem:$0x3FB0] =	sst s9;
	s0 =	simm.s32 @!p0 $0x0  }
0x12: {  	s1 =	sld [smem:$0x3F96];
	s0 =	simm.s32 @p0 $0x1  }
0x13: {  	[smem:$0x3FB1] =	sst s0;
	s0 =	simm.s32 @!p1 $0x0  }
0x14: {  	s2 =	sld [smem:$0x3F95];
	s0 =	simm.s32 @p1 $0x1  }
0x15: {  	[smem:$0x3FB2] =	sst s0;
	s0 =	simm.s32 @!p2 $0x0  }
0x16: {  	s3 =	sld [smem:$0x3FDB];
	s0 =	simm.s32 @p2 $0x1  }
0x17: {  	s4 =	simm.s32 $0x1BF5;
	[smem:$0x3FB4] =	sst s0  }
0x18: {  	s0 =	sld [smem:$0x3F97];
	_ =	swait.ge [sflag:s4], $0x0  }
0x19: {  	s7 =	sld [smem:$0x3F98]  }
0x1a: {  	s8 =	sadd.s32 $0xFFFFE003, lr  }
0x1b: {  	s9 =	sadd.s32 $0xFFFFFEF7, lr;
	s5 =	simm.s32 $0xFFFFFFFF;
	p2 =	slt.u32 s8, $0xFFFFF086  }
0x1c: {  	p1 =	slt.u32 s9, $0xF7A;
	s5 =	simm.s32 @!p2 $0x0  }
0x1d: {  	s5 =	simm.s32 @p1 $0x1;
	p0 =	seq.s32 s7, s2  }
0x1e: {  	s7 =	smul.u32 @!p0 $0xF7A, s2;
	p2 =	seq.s32 @!p0 s5, $0x0  }
0x1f: {  	s9 =	smul.u32 $0xF7A, s1;
	s8 =	simm.s32 @!p0 $0x1BF5;
	p2 =	por !p2, p0  }
0x20: {  	[sflag:s8] =	ssyncset.s32 @!p0 $0xFFFFF086;
	s6 =	sadd.s32 @!p0 s3, s7;
	s7 =	simm.s32 @!p0 $0x108  }
0x21: {  	s3 =	sadd.s32 s3, s9;
	s6 =	sadd.s32 @!p0 $0x88, s6;
	s7 =	simm.s32 @p2 $0x1082  }
0x22: {  	[simem:s7], [sflag:s8] =	dma.local @!p0 [hbm:s6], $0xF7A  }
0x23: {  	s9 =	sor.u32 $0xD0000000, s2;
	s6 =	simm.s32 $0x108;
	_ =	swait.ge @!p0 [sflag:s8], $0x0  }
0x24: {  	s3 =	sadd.s32 $0x88, s3;
	s6 =	simm.s32 @!p1 $0x1082;
	[sflag:s4] =	ssyncset.s32 $0xFFFFF086  }
0x25: {  	[simem:s6], [sflag:s4] =	dma.local [hbm:s3], $0xF7A  }
0x26: {  	[smem:$0x3F98] =	sst s1;
	(tag) =	ssettag s2;
	_ =	strace s9  }
0x27: {  	s1 =	sld [smem:$0x3FA8]  }
0x28: {  	s2 =	sld [smem:$0x3FA9]  }
0x29: {  	s4 =	sld [smem:$0x3FAB]  }
0x2a: {  	p0 =	seq.s32 s5, $0x0;
	s5 =	sld [smem:$0x3FAC]  }
0x2b: {  	s6 =	sld [smem:$0x3FAD]  }
0x2c: {  	s7 =	sld [smem:$0x3FAE]  }
0x2d: {  	s3 =	simm.s32 $0x108;
	s8 =	sld [smem:$0x3FAF]  }
0x2e: {  	s3 =	simm.s32 @!p0 $0x1082;
	s9 =	sld [smem:$0x3FB0]  }
0x2f: {  	lr =	sadd.s32 s0, s3;
	s0 =	sld [smem:$0x3FA7]  }
0x30: {  	s3 =	sld [smem:$0x3FAA]  }
0x31: {  	[smem:$0x3FB3] =	sst s10  }
0x32: {  	s10 =	sld [smem:$0x3FB1];
	_ =	sdelay $0x3  }
0x33: {  	p0 =	seq.s32 s10, $0x1;
	s10 =	sld [smem:$0x3FB3];
	_ =	sdelay $0x3  }
0x34: {  	[smem:$0x3FB3] =	sst s10  }
0x35: {  	s10 =	sld [smem:$0x3FB2];
	_ =	sdelay $0x3  }
0x36: {  	p1 =	seq.s32 s10, $0x1;
	s10 =	sld [smem:$0x3FB3];
	_ =	sdelay $0x3  }
0x37: {  	[smem:$0x3FB3] =	sst s10  }
0x38: {  	s10 =	sld [smem:$0x3FB4]  }
0x39: {  	_ = 	snop;
	(pc) =	sbr.ind lr, $3  }
0x3a: {  	_ = 	snop  }
0x3b: {  	_ = 	snop  }
0x3c: {  	p2 =	seq.s32 s10, $0x1;
	s10 =	sld [smem:$0x3FB3]  }
0x3d: {  	_ =	shalt  }
0x3e: {  	_ =	shalt  }
0x3f: {  	_ =	shalt  }
0x40: {  	_ =	shalt  }
0x41: {  	_ =	shalt  }
0x42: {  	_ =	shalt  }
0x43: {  	_ =	shalt  }
0x44: {  	_ =	shalt  }
0x45: {  	_ =	shalt  }
0x46: {  	_ =	shalt  }
0x47: {  	_ =	shalt  }
0x48: {  	_ =	shalt  }
0x49: {  	_ =	shalt  }
0x4a: {  	_ =	shalt  }
0x4b: {  	_ =	shalt  }
0x4c: {  	_ =	shalt  }
0x4d: {  	_ =	shalt  }
0x4e: {  	_ =	shalt  }
0x4f: {  	_ =	shalt  }
0x50: {  	_ =	shalt  }
0x51: {  	_ =	shalt  }
0x52: {  	_ =	shalt  }
0x53: {  	_ =	shalt  }
0x54: {  	_ =	shalt  }
0x55: {  	_ =	shalt  }
0x56: {  	_ =	shalt  }
0x57: {  	_ =	shalt  }
0x58: {  	_ =	shalt  }
0x59: {  	_ =	shalt  }
0x5a: {  	_ =	shalt  }
0x5b: {  	_ =	shalt  }
0x5c: {  	_ =	shalt  }
0x5d: {  	_ =	shalt  }
0x5e: {  	_ =	shalt  }
0x5f: {  	_ =	shalt  }
0x60: {  	_ =	shalt  }
0x61: {  	_ =	shalt  }
0x62: {  	_ =	shalt  }
0x63: {  	_ =	shalt  }
0x64: {  	_ =	shalt  }
0x65: {  	_ =	shalt  }
0x66: {  	_ =	shalt  }
0x67: {  	_ =	shalt  }
0x68: {  	_ =	shalt  }
0x69: {  	_ =	shalt  }
0x6a: {  	_ =	shalt  }
0x6b: {  	_ =	shalt  }
0x6c: {  	_ =	shalt  }
0x6d: {  	_ =	shalt  }
0x6e: {  	_ =	shalt  }
0x6f: {  	_ =	shalt  }
0x70: {  	_ =	shalt  }
0x71: {  	_ =	shalt  }
0x72: {  	_ =	shalt  }
0x73: {  	_ =	shalt  }
0x74: {  	_ =	shalt  }
0x75: {  	_ =	shalt  }
0x76: {  	_ =	shalt  }
0x77: {  	_ =	shalt  }
0x78: {  	_ =	shalt  }
0x79: {  	_ =	shalt  }
0x7a: {  	_ =	shalt  }
0x7b: {  	_ =	shalt  }
0x7c: {  	_ =	shalt  }
0x7d: {  	_ =	shalt  }
0x7e: {  	_ =	shalt  }
0x7f: {  	_ =	shalt  }
0x80: {  	_ =	shalt  }
0x81: {  	_ =	shalt  }
0x82: {  	_ =	shalt  }
0x83: {  	_ =	shalt  }
0x84: {  	_ =	shalt  }
0x85: {  	_ =	shalt  }
0x86: {  	_ =	shalt  }
0x87: {  	_ =	shalt  }
.Lfunc_end0:
.L_simem_size_0:
called_computation.1_lowered:
.L_overlay_start_0:
0x88: {  	s2 =	sld [smem:$0x3FD9]  }
0x89: {  	s3 =	sld [smem:$0x3FFE];
	_ =	sdelay $0x1  }
0x8a: {  	s1 =	srdreg.scid  }
0x8b: {  	s0 =	sand.u32 $0x1, s1  }
0x8c: {  	s17 =	sshll.u32 s0, $0xA;
	s2 =	sadd.s32 s3, s2  }
0x8d: {  	s2 =	sadd.s32 s2, s17  }
0x8e: {  	[smem:$0x3FBF] =	sst s2  }
0x8f: {  	_ = 	snop  }
0x90: {  	s2 =	sld [smem:$0x3FC7]  }
0x91: {  	s18 =	sld [smem:$0x3FD0];
	(tm) =	ssettm $0x1  }
0x92: {  	s4 =	sld [smem:$0x3FFB];
	_ =	sdelay $0x3  }
0x93: {  	_ =	strace s4  }
0x94: {  	s4 =	sld [smem:$0x3FFC];
	_ =	sdelay $0x3  }
0x95: {  	_ =	strace s4  }
0x96: {  	s4 =	sld [smem:$0x3FFD];
	_ =	sdelay $0x3  }
0x97: {  	_ =	strace s4  }
0x98: {  	_ =	strace $0x8FFFFFFF  }
0x99: {  	s19 =	sld [smem:$0x3FDB];
	_ =	sdelay $0x1  }
0x9a: {  	s5 =	simm.s32 $_scs_section_size  }
0x9b: {  	s6 =	simm.s32 $_size__tile_overlayer_lowered;
	s7 =	simm.s32 $_tile_overlayer_lowered  }
0x9c: {  	s22 =	simm.s32 $0x1BFF;
	s21 =	sshll.u32 s7, $0x1;
	s4 =	sadd.s32 s5, s19  }
0x9d: {  	s8 =	simm.s32 $0x0;
	s20 =	sshll.u32 s6, $0x1;
	s6 =	sadd.s32 s21, s4  }
0x9e: {  	[timem:s8], [sflag:s22] =	dma.local [hbm:s6], s20  }
0x9f: {  	_ =	swait.ge [sflag:s22], s20  }
0xa0: {  	s5 =	ssub.s32 $0x0, s20;
	[sflag:s22] =	ssyncset.done $0x0  }
0xa1: {  	[sflag:s22] =	ssyncadd.s32 s5;
	_ =	sdelay $0x1  }
0xa2: {  	s23 =	simm.s32 $0x1B8B  }
0xa3: {  	_ =	swait.ge [sflag:s23], $0x1  }
0xa4: {  	[sflag:s23] =	ssyncset.done $0x0  }
0xa5: {  	s25 =	simm.s32 $0x1B8E;
	s24 =	sld [smem:$0x3FFE];
	[sflag:s23] =	ssyncadd.s32 $0xFFFFFFFF  }
0xa6: {  	s26 =	simm.s32 $execute0_lowered;
	[smem:$0x3FD2] =	sst s25  }
0xa7: {  	s6 =	sshll.u32 s26, $0x1;
	_ =	strace $0x80000049;
	[dreg:$0x1] =	wrdreg $0xFFFFFFFF  }
0xa8: {  	s28 =	simm.s32 $_size_execute0_lowered;
	s4 =	sadd.s32 s4, s6;
	[dreg:$0x0] =	wrdreg $0x0  }
0xa9: {  	s6 =	sshll.u32 s28, $0x1;
	[dreg:$0x2] =	wrdreg s4  }
0xaa: {  	[dreg:$0x3] =	wrdreg s6  }
0xab: {  	[dreg:$0x4] =	wrdreg $0xC0  }
0xac: {  	_ =	task [dreg:s8], $0x5FFFF  }
0xad: {  	[dreg:$0x1] =	wrdreg $0xFFFFFFFF  }
0xae: {  	[dreg:$0x0] =	wrdreg $0x60  }
0xaf: {  	[dreg:$0x2] =	wrdreg s18  }
0xb0: {  	[dreg:$0x3] =	wrdreg s24  }
0xb1: {  	[dreg:$0x4] =	wrdreg s2  }
0xb2: {  	[dreg:$0x5] =	wrdreg $0x77000  }
0xb3: {  	[dreg:$0x6] =	wrdreg $0x9  }
0xb4: {  	_ =	task.clear_ibuf [dreg:s8], $0x7FFFF;
	_ =	strace $0x90000049  }
0xb5: {  	s29 =	simm.s32 $0x9;
	_ =	strace $0x8000004B  }
0xb6: {  	_ =	swait.ge [sflag:s29], $0x1  }
0xb7: {  	[sflag:s29] =	ssyncadd.s32 $0xFFFFFFFF  }
0xb8: {  	_ =	strace $0x9000004B  }
0xb9: {  	_ =	sfence  }
0xba: {  	s30 =	sld [smem:$0x0];
	_ =	sdelay $0x2  }
0xbb: {  	s31 =	sshll.u32 s1, $0xD;
	s1 =	sshrl.u32 s1, $0x2  }
0xbc: {  	s3 =	sand.u32 $0x4000, s31;
	s1 =	sadd.s32 s1, s30  }
0xbd: {  	s0 =	sor.u32 s3, s0;
	s1 =	sshll.u32 s1, $0x11  }
0xbe: {  	s0 =	sor.u32 s1, s0  }
0xbf: {  	s0 =	sadd.s32 $0x8F2B, s0  }
0xc0: {  	[sflag:s0] =	ssyncadd.remote.s32 $0x1  }
0xc1: {  	_ =	sfence.sel $0xFFFF  }
0xc2: {  	[dreg:$0x0] =	wrdreg $0xFFFFFFFF;
	(pc) =	sbr.abs _section_cstart, $3  }
0xc3: {  	[dreg:$0x1] =	wrdreg $0xFFFFFFFF  }
0xc4: {  	_ =	task.clear_ibuf [dreg:s8], $0x2FFFF;
	_ =	strace $0x9FFFFFFF  }
0xc5: {  	(tm) =	ssettm $0x7FFFFFFF  }
tec
execute0_lowered:
.L_overlay_start_1:
0x0: {  	(tag) =	ssettag $0x1  }
0x1: {  	s1 =	rddreg [dreg:$0x0]  }
0x2: {  	s10 =	rddreg [dreg:$0x1]  }
0x3: {  	s2 =	rddreg [dreg:$0x2]  }
0x4: {  	s3 =	rddreg [dreg:$0x3];
	s0 =	simm.s32 $0x0;
	s8 =	srdreg.scid  }
0x5: {  	s31 =	stileid.u32;
	s15 =	simm.s32 $0x6F00;
	s16 =	simm.s32 $0x2  }
0x6: {  	s19 =	simm.s32 $0x800;
	s20 =	simm.s32 $0x1000;
	s21 =	simm.s32 $0x0  }
0x7: {  	[smem:$0x7FF] =	sst s0;
	s6 =	sadd.s32 $0xB800, s10;
	s7 =	sadd.s32 $0x1A00, s10  }
0x8: {  	s12 =	sand.u32 $0x1, s8;
	s8 =	sadd.s32 $0x15800, s10;
	s13 =	smul.u32 $0x29000, s31  }
0x9: {  	s9 =	sadd.s32 $0x15600, s10;
	s10 =	sadd.s32 $0xBAE00, s10;
	s17 =	sshll.u32 s31, $0x6  }
0xa: {  	_ =	strace $0x8000004A;
	s11 =	ssub.s32 $0x2, s12;
	s12 =	sshll.u32 s12, $0x1  }
0xb: {  	s17 =	sor.u32 $0x1C02, s17;
	s14 =	sshrl.u32 s11, $0x1;
	s13 =	sshrl.u32 s13, $0x2  }
0xc: {  	v0 =	vlaneseq.u32;
	s14 =	ssub.s32 s11, s14;
	s11 =	smul.u32 $0x4E20, s31;
	s18 =	sadd.s32 s13, s3  }
0xd: {  	v1 =	vimm.s32 $0x0;
	v2 =	vadd.s32 $0x1, v0;
	s13 =	smul.u32 $0xA400, s31;
	s14 =	smax.u32 s14, $0x1;
	s18 =	sshrl.u32 s18, $0x3  }
.LBB2_1:
0xe: {  	s0 =	simm.s32 $0x0  }
0xf: {  	[tilespmem:s15], [sflag:$0x2] =	stream.linear.gather [hbm4b:s9+s0], $0x800, $0x38;
	[tilespmem:$0x11B00] =	vst v63  }
0x10: {  	_ =	swait.ge [sflag:s16], $0x800  }
0x11: {  	[sflag:s16] =	ssyncset.done $0x0  }
0x12: {  	s22 =	simm.s32 $0x0;
	[sflag:s16] =	ssyncadd.s32 $0xFFFFF800  }
.LBB2_2:
0x13: {  	[spmem:s18], [sflag:s17] =	dma.local [hbm:s8], $0x1480  }
0x14: {  	s23 =	sshrl.u32 s22, $0x1;
	s24 =	sand.u32 $0x1, s22  }
0x15: {  	_ =	swait.ge [sflag:s16], $0x1480;
	s23 =	sadd.s32 s12, s23;
	s25 =	smul.u32 $0xFFFFEC00, s24  }
0x16: {  	[sflag:s16] =	ssyncset.done $0x0;
	s28 =	smul.u32 $0x2710, s23  }
0x17: {  	s26 =	simm.s32 $0x0;
	v7 =	vimm.s32 $0x1400;
	s29 =	simm.s32 $0x0;
	[sflag:s16] =	ssyncadd.s32 $0xFFFFEB80  }
0x18: {  	v4 =	vmov s23;
	v3 =	vmov s25;
	s25 =	simm.s32 $0x0;
	[bflag:$0x0] =	sbarrier.arrive $0xFFFF;
	v5 =	vmov s28;
	s28 =	simm.s32 $0x0  }
.LBB2_3:
0x19: {  	s30 =	smul.u32 $0x7D0, s28;
	_ =	sdelay $0x1  }
0x1a: {  	s30 =	sadd.s32 s11, s30  }
0x1b: {  	s30 =	sshrl.u32 s30, $0x3  }
0x1c: {  	s31 =	sadd.s32 s6, s30  }
0x1d: {  	[tilespmem:s26], [sflag:$0x2] =	stream.linear.gather [hbm4b:s31+s26], $0x7D0, $0x38;
	[tilespmem:$0x11B00] =	vst v63  }
0x1e: {  	_ =	swait.ge [sflag:s16], $0x7D0  }
0x1f: {  	[sflag:s16] =	ssyncset.done $0x0  }
0x20: {  	s31 =	sadd.s32 s7, s30;
	[sflag:s16] =	ssyncadd.s32 $0xFFFFF830  }
0x21: {  	[tilespmem:s19], [sflag:$0x2] =	stream.linear.gather [hbm4b:s31+s26], $0x7D0, $0x38;
	[tilespmem:$0x11B00] =	vst v63  }
0x22: {  	_ =	swait.ge [sflag:s16], $0x7D0  }
0x23: {  	[sflag:s16] =	ssyncset.done $0x0  }
0x24: {  	s30 =	sadd.s32 s2, s30;
	[sflag:s16] =	ssyncadd.s32 $0xFFFFF830  }
0x25: {  	[tilespmem:s20], [sflag:$0x2] =	stream.linear.gather [hbm4b:s30+s26], $0x7D0, $0x38;
	[tilespmem:$0x11B00] =	vst v63  }
0x26: {  	_ =	swait.ge [sflag:s16], $0x7D0  }
0x27: {  	[sflag:s16] =	ssyncset.done $0x0  }
0x28: {  	s30 =	simm.s32 $0x0;
	[sflag:s16] =	ssyncadd.s32 $0xFFFFF830  }
0x29: {  	v6 =	vld [tilespmem:s30+$0x800]  }
0x2a: {  	v8 =	vld [tilespmem:s30+$0x1000]  }
0x2b: {  	v9 =	vld [tilespmem:s30+$0x0];
	_ =	sdelay $0x2  }
0x2c: {  	v6 =	vadd.s32 v3, v6  }
0x2d: {  	vm0 =	veq.s32 v8, v4;
	vm1 =	vlt.u32 v6, $0x1400  }
0x2e: {  	v8 =	vadd.s32 v5, v9;
	vm0 =	vmand vm0, vm1  }
0x2f: {  	v8 =	vshll.u32 v8, $0xD;
	v9 =	vsel vm0, $0x1, v1  }
0x30: {  	v6 =	vadd.s32 v6, v8;
	(xrf0) =	vadd.scan.msk.s32 $0xffff, v9  }
0x31: {  	v6 =	vnsel vm0, $0x1400, v6;
	v8 =	vor.u32 $0x80000000, v9  }
0x32: {  	(xrf1) =	vsort.dscd.msk.u32 $0xffff, v8, v6;
	_ =	sdelay $0x3  }
0x33: {  	v6, _, _ =	vpop (xrf0)  }
0x34: {  	(v2sf) =	vpush v6, $0xF;
	_ =	sdelay $0x7  }
0x35: {  	s30 =	ssub.s32 $0x10, s29  }
0x36: {  	v6 =	vadd.s32 s30, v0;
	_, v8, _ =	vpop (xrf1)  }
0x37: {  	v9 =	vmov s29;
	v6 =	vperm.xlane v8, v6  }
0x38: {  	vm15 =	vlt.s32 v9, v2;
	s30 =	sshll.u32 s25, $0x6  }
0x39: {  	s30 =	sshra.s32 s30, $0x2;
	v7 =	vsel vm15, v6, v7  }
0x3a: {  	s0 =	simm.s32 $0x10;
	[tilespmem:s30+$0x1800] =	vst v7  }
0x3b: {  	v9 =	vld [tilespmem:s0+$0x1000]  }
0x3c: {  	v10 =	vld [tilespmem:s0+$0x800];
	s30 =	spop (v2sf)  }
0x3d: {  	v8 =	vld [tilespmem:s0+$0x0];
	s30 =	sadd.s32 s29, s30  }
0x3e: {  	s31 =	simm.s32 $0x80;
	p1 =	sgt.s32 s30, $0xF  }
.LBB2_4:
0x3f: {  	s0 =	simm.s32 $0x1;
	s5 =	simm.s32 $0xFFFFFFF0;
	s4 =	smov.u32 s31  }
0x40: {  	v7 =	vpsel p1, v6, v7;
	s29 =	sadd.s32 $0x40, s31;
	s0 =	simm.s32 @!p1 $0x0;
	s5 =	simm.s32 @!p1 $0x0  }
0x41: {  	p0 =	sne.s32 s31, $0x1F00;
	vm0 =	veq.s32 v9, v4;
	v6 =	vadd.s32 v3, v10;
	s25 =	sadd.s32 s0, s25;
	s0 =	sadd.s32 s30, s5  }
0x42: {  	vm1 =	vlt.u32 v6, $0x1400;
	v8 =	vadd.s32 v5, v8;
	s5 =	ssub.s32 $0x10, s0;
	v9 =	vmov s0;
	s30 =	sshll.u32 s25, $0x6  }
0x43: {  	vm0 =	vmand vm0, vm1;
	v8 =	vshll.u32 v8, $0xD  }
0x44: {  	v10 =	vsel vm0, $0x1, v1;
	v6 =	vadd.s32 v6, v8  }
0x45: {  	v6 =	vnsel vm0, $0x1400, v6;
	v8 =	vor.u32 $0x80000000, v10;
	(xrf0) =	vadd.scan.msk.s32 $0xffff, v10  }
0x46: {  	(xrf1) =	vsort.dscd.msk.u32 $0xffff, v8, v6;
	_ =	sdelay $0x4  }
0x47: {  	v6, _, _ =	vpop (xrf0)  }
0x48: {  	(v2sf) =	vpush v6, $0xF;
	_ =	sdelay $0x7  }
0x49: {  	v6 =	vadd.s32 s5, v0;
	_, v8, _ =	vpop (xrf1)  }
0x4a: {  	v6 =	vperm.xlane v8, v6  }
0x4b: {  	vm0 =	vlt.s32 v9, v2  }
0x4c: {  	s5 =	sshra.s32 s30, $0x2;
	v7 =	vsel vm0, v6, v7  }
0x4d: {  	s4 =	sshra.s32 s4, $0x2;
	[tilespmem:s5+$0x1800] =	vst v7  }
.Ltmp0:
0x4e: {  	v9 =	vld [tilespmem:s4+$0x1000];
	(pc) =	sbr.rel @p0 .LBB2_4-.Ltmp0, $4  }
0x4f: {  	v10 =	vld [tilespmem:s4+$0x800]  }
0x50: {  	v8 =	vld [tilespmem:s4+$0x0];
	s4 =	spop (v2sf)  }
0x51: {  	s30 =	sadd.s32 s0, s4  }
0x52: {  	s31 =	smov.u32 s29;
	p1 =	sgt.s32 s30, $0xF  }
0x53: {  	_ = 	snop  }
0x54: {  	v10 =	vadd.s32 v3, v10  }
0x55: {  	vm0 =	veq.s32 v9, v4;
	vm1 =	vlt.u32 v10, $0x1400  }
0x56: {  	vm0 =	vmand vm0, vm1  }
0x57: {  	v62 =	vsel vm0, $0x1, v1  }
0x58: {  	(xrf0) =	vadd.scan.msk.s32 $0xffff, v62;
	_ =	sdelay $0x3  }
0x59: {  	v8 =	vadd.s32 v5, v8  }
0x5a: {  	v8 =	vshll.u32 v8, $0xD  }
0x5b: {  	v8 =	vadd.s32 v10, v8;
	v11, _, _ =	vpop (xrf0)  }
0x5c: {  	v8 =	vnsel vm0, $0x1400, v8;
	v9 =	vor.u32 $0x80000000, v62;
	(v2sf) =	vpush v11, $0xF  }
0x5d: {  	(xrf1) =	vsort.dscd.msk.u32 $0xffff, v9, v8;
	_ =	sdelay $0x9  }
0x5e: {  	s0 =	simm.s32 $0xFFFFFFF0  }
0x5f: {  	s0 =	simm.s32 @!p1 $0x0  }
0x60: {  	s4 =	simm.s32 $0x1;
	s28 =	sadd.s32 $0x1, s28;
	s0 =	sadd.s32 s30, s0  }
0x61: {  	v6 =	vpsel p1, v6, v7;
	s4 =	simm.s32 @!p1 $0x0;
	p1 =	sne.s32 s28, $0xA;
	s5 =	ssub.s32 $0x10, s0  }
.Ltmp1:
0x62: {  	s4 =	sadd.s32 s4, s25;
	v8 =	vadd.s32 s5, v0;
	_, v9, _ =	vpop (xrf1);
	s31 =	spop (v2sf);
	(pc) =	sbr.rel @p1 .LBB2_3-.Ltmp1, $4  }
0x63: {  	s25 =	simm.s32 $0x1;
	s29 =	sshll.u32 s4, $0x6;
	v63 =	vmov s0;
	v8 =	vperm.xlane v9, v8;
	s30 =	sadd.s32 s0, s31  }
0x64: {  	vm15 =	vlt.s32 v63, v2;
	s31 =	sshra.s32 s29, $0x2;
	s29 =	simm.s32 $0xFFFFFFF0;
	p0 =	sgt.s32 s30, $0xF  }
0x65: {  	v6 =	vsel vm15, v8, v6;
	s25 =	simm.s32 @!p0 $0x0;
	s29 =	simm.s32 @!p0 $0x0  }
0x66: {  	[tilespmem:s31+$0x1800] =	vst v6;
	v7 =	vpsel p0, v8, v6;
	s25 =	sadd.s32 s25, s4;
	s29 =	sadd.s32 s30, s29  }
0x67: {  	v3 =	vmov s29  }
0x68: {  	s0 =	sshll.u32 s25, $0x6;
	vm0 =	vgt.s32 v3, v0  }
0x69: {  	s0 =	sshra.s32 s0, $0x2;
	v3 =	vnsel vm0, $0x1400, v7  }
0x6a: {  	p0 =	slt.s32 s25, $0x0;
	[tilespmem:s0+$0x1800] =	vst v3;
	s0 =	simm.s32 $0x1800  }
0x6b: {  	v3 =	vld @!p0 [tilespmem:s0+$0x0];
	_ =	sdelay $0x4  }
0x6c: {  	v4 =	vshrl.u32 @!p0 v3, $0xD;
	_ =	sdelay $0x3  }
0x6d: {  	s4 =	simm.s32 @!p0 $0x6700;
	s5 =	simm.s32 @!p0 $0x1;
	vm0 =	vmmov @!p0 $0xffff;
	s0 =	simm.s32 @!p0 $0x0;
	v3 =	vand.u32 @!p0 $0x1FFF, v3  }
0x6e: {  	[tilespmem:s4], [sflag:$0x1] =	stream.indirect_vreg.gather @!p0 [hbm4b:s1+s0], $0x80, v4, vm0, $0xb8;
	[tilespmem:$0x11B00] =	vst v63  }
0x6f: {  	_ =	swait.ge @!p0 [sflag:s5], $0x800  }
0x70: {  	[sflag:s5] =	ssyncset.done @!p0 $0x0  }
0x71: {  	s30 =	simm.s32 @!p0 $0x2;
	[sflag:s5] =	ssyncadd.s32 @!p0 $0xFFFFF800  }
0x72: {  	[spmem:s3] =	stream.indirect_vreg.scatter.add.f32 @!p0 [tilespmem:s4], [sflag:$0x2], $0x80, v3, vm0, $0xb8;
	[tilespmem:$0x11B00] =	vst v63  }
0x73: {  	s26 =	simm.s32 $0x1;
	_ =	swait.ge @!p0 [sflag:s30], $0x800  }
0x74: {  	s29 =	simm.s32 $0x2;
	s28 =	simm.s32 $0x1810;
	[sflag:s30] =	ssyncset.done @!p0 $0x0  }
.LBB2_7:
0x75: {  	[sflag:s30] =	ssyncadd.s32 @!p0 $0xFFFFF800  }
0x76: {  	p0 =	sgt.s32 s26, s25;
	s26 =	smov.u32 s29;
	s29 =	sadd.s32 $0x1, s29  }
0x77: {  	p1 =	sne.s32 s29, $0x4F0;
	v3 =	vld @!p0 [tilespmem:s28+$0x0];
	_ =	sdelay $0x4  }
0x78: {  	v4 =	vshrl.u32 @!p0 v3, $0xD;
	v3 =	vand.u32 @!p0 $0x1FFF, v3;
	_ =	sdelay $0x3  }
0x79: {  	vm0 =	vmmov @!p0 $0xffff;
	s0 =	simm.s32 @!p0 $0x0;
	s4 =	simm.s32 @!p0 $0x6700;
	s5 =	simm.s32 @!p0 $0x1  }
0x7a: {  	[tilespmem:s4], [sflag:$0x1] =	stream.indirect_vreg.gather @!p0 [hbm4b:s1+s0], $0x80, v4, vm0, $0xb8;
	[tilespmem:$0x11B00] =	vst v63  }
0x7b: {  	_ =	swait.ge @!p0 [sflag:s5], $0x800  }
.Ltmp2:
0x7c: {  	[sflag:s5] =	ssyncset.done @!p0 $0x0;
	(pc) =	sbr.rel @p1 .LBB2_7-.Ltmp2, $4  }
0x7d: {  	s30 =	simm.s32 @!p0 $0x2;
	[sflag:s5] =	ssyncadd.s32 @!p0 $0xFFFFF800  }
0x7e: {  	[spmem:s3] =	stream.indirect_vreg.scatter.add.f32 @!p0 [tilespmem:s4], [sflag:$0x2], $0x80, v3, vm0, $0xb8;
	[tilespmem:$0x11B00] =	vst v63  }
0x7f: {  	_ =	swait.ge @!p0 [sflag:s30], $0x800  }
0x80: {  	s28 =	sadd.s32 $0x10, s28;
	[sflag:s30] =	ssyncset.done @!p0 $0x0  }
0x81: {  	p1 =	sgt.s32 s26, s25;
	[sflag:s30] =	ssyncadd.s32 @!p0 $0xFFFFF800  }
0x82: {  	v3 =	vld @!p1 [tilespmem:s28+$0x0];
	_ =	sdelay $0x4  }
0x83: {  	v4 =	vshrl.u32 @!p1 v3, $0xD;
	_ =	sdelay $0x3  }
0x84: {  	vm0 =	vmmov @!p1 $0xffff;
	s0 =	simm.s32 @!p1 $0x0;
	s4 =	simm.s32 @!p1 $0x6700;
	s5 =	simm.s32 @!p1 $0x1;
	v3 =	vand.u32 @!p1 $0x1FFF, v3  }
0x85: {  	[tilespmem:s4], [sflag:$0x1] =	stream.indirect_vreg.gather @!p1 [hbm4b:s1+s0], $0x80, v4, vm0, $0xb8;
	[tilespmem:$0x11B00] =	vst v63  }
0x86: {  	_ =	swait.ge @!p1 [sflag:s5], $0x800  }
0x87: {  	[sflag:s5] =	ssyncset.done @!p1 $0x0  }
0x88: {  	s30 =	smul.u32 $0xA4000, s24;
	[sflag:s5] =	ssyncadd.s32 @!p1 $0xFFFFF800  }
0x89: {  	[spmem:s3] =	stream.indirect_vreg.scatter.add.f32 @!p1 [tilespmem:s4], [sflag:$0x2], $0x80, v3, vm0, $0xb8;
	[tilespmem:$0x11B00] =	vst v63  }
0x8a: {  	s31 =	smul.u32 $0x148000, s23;
	s4 =	simm.s32 @!p1 $0x2  }
0x8b: {  	s0 =	sadd.s32 s13, s30;
	_ =	swait.ge @!p1 [sflag:s4], $0x800  }
0x8c: {  	s0 =	sadd.s32 s31, s0;
	[sflag:s4] =	ssyncset.done @!p1 $0x0  }
0x8d: {  	s22 =	sadd.s32 $0x1, s22;
	s0 =	sshrl.u32 s0, $0x3;
	[sflag:s4] =	ssyncadd.s32 @!p1 $0xFFFFF800  }
0x8e: {  	p0 =	sne.s32 s22, $0x4;
	s0 =	sadd.s32 s10, s0;
	[bflag:$0x0] =	sbarrier.arrive $0xFFFF  }
0x8f: {  	[hbm:s0], [sflag:s17] =	dma.local [spmem:s18], $0x1480  }
.Ltmp3:
0x90: {  	_ =	swait.ge [sflag:s16], $0x1480;
	(pc) =	sbr.rel @p0 .LBB2_2-.Ltmp3, $3  }
0x91: {  	[sflag:s16] =	ssyncset.done $0x0  }
0x92: {  	[sflag:s16] =	ssyncadd.s32 $0xFFFFEB80  }
0x93: {  	[bflag:$0x0] =	sbarrier.arrive $0xFFFF;
	_ =	sdelay $0x1  }
0x94: {  	s21 =	sadd.s32 $0x1, s21  }
0x95: {  	p0 =	sne.s32 s21, s14  }
.Ltmp4:
0x96: {  	_ = 	snop;
	(pc) =	sbr.rel @p0 .LBB2_1-.Ltmp4, $1  }
0x97: {  	_ =	sdelay $0x3  }
0x98: {  	_ =	sfence.sel $0x180000  }
0x99: {  	[bflag:$0x0] =	sbarrier.arrive $0xFFFF  }
0x9a: {  	_ =	strace $0x9000004A  }
0x9b: {  	s0 =	stileid.u32;
	[bflag:$0x2] =	sbarrier.arrive $0xFFFF  }
0x9c: {  	p0 =	sne.s32 s0, $0x0;
	s0 =	rddreg [dreg:$0x4]  }
0x9d: {  	s0 =	sadd.s32 @!p0 $0x100000, s0  }
0x9e: {  	[sflag:s0] =	ssyncadd.tile.s32 @!p0 $0x1;
	_ =	shalt  }
.Lfunc_end2:
_tile_overlayer_lowered:
.L_overlay_start_2:
0x9f: {  	(tag) =	ssettag $0x2  }
0xa0: {  	s0 =	rddreg [dreg:$0x0];
	s2 =	stileid.u32  }
0xa1: {  	s1 =	rddreg [dreg:$0x1];
	p0 =	sne.s32 s2, $0x0  }
0xa2: {  	s3 =	rddreg [dreg:$0x2];
	[bflag:$0x3] =	sbarrier.arrive $0xFFFF;
	s2 =	simm.s32 @!p0 $0x1C02  }
0xa3: {  	[timem:s3], [sflag:s2] =	dma.local @!p0 [hbm:s0], s1  }
0xa4: {  	s0 =	simm.s32 @!p0 $0x2  }
0xa5: {  	_ =	swait.ge @!p0 [sflag:s0], s1  }
0xa6: {  	s1 =	ssub.s32 @!p0 $0x0, s1;
	[sflag:s0] =	ssyncset.done @!p0 $0x0  }
0xa7: {  	[sflag:s0] =	ssyncadd.s32 @!p0 s1  }
0xa8: {  	[bflag:$0x3] =	sbarrier.arrive $0xFFFF  }
0xa9: {  	_ =	shalt  }

// kernel: kernel.8.cloned.1.call-start
scs
__scs_entry_jumppad:
0x0: {  	(pc) =	sbr.rel $0x88, $3  }
0x1: {  	(tag) =	ssettag $0x0;
	lr =	simm.s32 $0x1  }
0x2: {  	[smem:$0x3F98] =	sst lr;
	_ =	strace $0xD0000000  }
0x3: {  	_ = 	snop  }
0x4: {  	_ = 	snop  }
0x5: {  	_ = 	snop  }
0x6: {  	_ = 	snop  }
0x7: {  	_ = 	snop  }
__scs_overlays_trampoline_lowered:
0x8: {  	[smem:$0x3FA7] =	sst s0  }
0x9: {  	[smem:$0x3FA8] =	sst s1  }
0xa: {  	[smem:$0x3FA9] =	sst s2  }
0xb: {  	[smem:$0x3FAA] =	sst s3  }
0xc: {  	[smem:$0x3FAB] =	sst s4  }
0xd: {  	[smem:$0x3FAC] =	sst s5  }
0xe: {  	[smem:$0x3FAD] =	sst s6  }
0xf: {  	[smem:$0x3FAE] =	sst s7  }
0x10: {  	[smem:$0x3FAF] =	sst s8  }
0x11: {  	[smem:$0x3FB0] =	sst s9;
	s0 =	simm.s32 @!p0 $0x0  }
0x12: {  	s1 =	sld [smem:$0x3F96];
	s0 =	simm.s32 @p0 $0x1  }
0x13: {  	[smem:$0x3FB1] =	sst s0;
	s0 =	simm.s32 @!p1 $0x0  }
0x14: {  	s2 =	sld [smem:$0x3F95];
	s0 =	simm.s32 @p1 $0x1  }
0x15: {  	[smem:$0x3FB2] =	sst s0;
	s0 =	simm.s32 @!p2 $0x0  }
0x16: {  	s3 =	sld [smem:$0x3FDB];
	s0 =	simm.s32 @p2 $0x1  }
0x17: {  	s4 =	simm.s32 $0x1BF5;
	[smem:$0x3FB4] =	sst s0  }
0x18: {  	s0 =	sld [smem:$0x3F97];
	_ =	swait.ge [sflag:s4], $0x0  }
0x19: {  	s7 =	sld [smem:$0x3F98]  }
0x1a: {  	s8 =	sadd.s32 $0xFFFFE003, lr  }
0x1b: {  	s9 =	sadd.s32 $0xFFFFFEF7, lr;
	s5 =	simm.s32 $0xFFFFFFFF;
	p2 =	slt.u32 s8, $0xFFFFF086  }
0x1c: {  	p1 =	slt.u32 s9, $0xF7A;
	s5 =	simm.s32 @!p2 $0x0  }
0x1d: {  	s5 =	simm.s32 @p1 $0x1;
	p0 =	seq.s32 s7, s2  }
0x1e: {  	s7 =	smul.u32 @!p0 $0xF7A, s2;
	p2 =	seq.s32 @!p0 s5, $0x0  }
0x1f: {  	s9 =	smul.u32 $0xF7A, s1;
	s8 =	simm.s32 @!p0 $0x1BF5;
	p2 =	por !p2, p0  }
0x20: {  	[sflag:s8] =	ssyncset.s32 @!p0 $0xFFFFF086;
	s6 =	sadd.s32 @!p0 s3, s7;
	s7 =	simm.s32 @!p0 $0x108  }
0x21: {  	s3 =	sadd.s32 s3, s9;
	s6 =	sadd.s32 @!p0 $0x88, s6;
	s7 =	simm.s32 @p2 $0x1082  }
0x22: {  	[simem:s7], [sflag:s8] =	dma.local @!p0 [hbm:s6], $0xF7A  }
0x23: {  	s9 =	sor.u32 $0xD0000000, s2;
	s6 =	simm.s32 $0x108;
	_ =	swait.ge @!p0 [sflag:s8], $0x0  }
0x24: {  	s3 =	sadd.s32 $0x88, s3;
	s6 =	simm.s32 @!p1 $0x1082;
	[sflag:s4] =	ssyncset.s32 $0xFFFFF086  }
0x25: {  	[simem:s6], [sflag:s4] =	dma.local [hbm:s3], $0xF7A  }
0x26: {  	[smem:$0x3F98] =	sst s1;
	(tag) =	ssettag s2;
	_ =	strace s9  }
0x27: {  	s1 =	sld [smem:$0x3FA8]  }
0x28: {  	s2 =	sld [smem:$0x3FA9]  }
0x29: {  	s4 =	sld [smem:$0x3FAB]  }
0x2a: {  	p0 =	seq.s32 s5, $0x0;
	s5 =	sld [smem:$0x3FAC]  }
0x2b: {  	s6 =	sld [smem:$0x3FAD]  }
0x2c: {  	s7 =	sld [smem:$0x3FAE]  }
0x2d: {  	s3 =	simm.s32 $0x108;
	s8 =	sld [smem:$0x3FAF]  }
0x2e: {  	s3 =	simm.s32 @!p0 $0x1082;
	s9 =	sld [smem:$0x3FB0]  }
0x2f: {  	lr =	sadd.s32 s0, s3;
	s0 =	sld [smem:$0x3FA7]  }
0x30: {  	s3 =	sld [smem:$0x3FAA]  }
0x31: {  	[smem:$0x3FB3] =	sst s10  }
0x32: {  	s10 =	sld [smem:$0x3FB1];
	_ =	sdelay $0x3  }
0x33: {  	p0 =	seq.s32 s10, $0x1;
	s10 =	sld [smem:$0x3FB3];
	_ =	sdelay $0x3  }
0x34: {  	[smem:$0x3FB3] =	sst s10  }
0x35: {  	s10 =	sld [smem:$0x3FB2];
	_ =	sdelay $0x3  }
0x36: {  	p1 =	seq.s32 s10, $0x1;
	s10 =	sld [smem:$0x3FB3];
	_ =	sdelay $0x3  }
0x37: {  	[smem:$0x3FB3] =	sst s10  }
0x38: {  	s10 =	sld [smem:$0x3FB4]  }
0x39: {  	_ = 	snop;
	(pc) =	sbr.ind lr, $3  }
0x3a: {  	_ = 	snop  }
0x3b: {  	_ = 	snop  }
0x3c: {  	p2 =	seq.s32 s10, $0x1;
	s10 =	sld [smem:$0x3FB3]  }
0x3d: {  	_ =	shalt  }
0x3e: {  	_ =	shalt  }
0x3f: {  	_ =	shalt  }
0x40: {  	_ =	shalt  }
0x41: {  	_ =	shalt  }
0x42: {  	_ =	shalt  }
0x43: {  	_ =	shalt  }
0x44: {  	_ =	shalt  }
0x45: {  	_ =	shalt  }
0x46: {  	_ =	shalt  }
0x47: {  	_ =	shalt  }
0x48: {  	_ =	shalt  }
0x49: {  	_ =	shalt  }
0x4a: {  	_ =	shalt  }
0x4b: {  	_ =	shalt  }
0x4c: {  	_ =	shalt  }
0x4d: {  	_ =	shalt  }
0x4e: {  	_ =	shalt  }
0x4f: {  	_ =	shalt  }
0x50: {  	_ =	shalt  }
0x51: {  	_ =	shalt  }
0x52: {  	_ =	shalt  }
0x53: {  	_ =	shalt  }
0x54: {  	_ =	shalt  }
0x55: {  	_ =	shalt  }
0x56: {  	_ =	shalt  }
0x57: {  	_ =	shalt  }
0x58: {  	_ =	shalt  }
0x59: {  	_ =	shalt  }
0x5a: {  	_ =	shalt  }
0x5b: {  	_ =	shalt  }
0x5c: {  	_ =	shalt  }
0x5d: {  	_ =	shalt  }
0x5e: {  	_ =	shalt  }
0x5f: {  	_ =	shalt  }
0x60: {  	_ =	shalt  }
0x61: {  	_ =	shalt  }
0x62: {  	_ =	shalt  }
0x63: {  	_ =	shalt  }
0x64: {  	_ =	shalt  }
0x65: {  	_ =	shalt  }
0x66: {  	_ =	shalt  }
0x67: {  	_ =	shalt  }
0x68: {  	_ =	shalt  }
0x69: {  	_ =	shalt  }
0x6a: {  	_ =	shalt  }
0x6b: {  	_ =	shalt  }
0x6c: {  	_ =	shalt  }
0x6d: {  	_ =	shalt  }
0x6e: {  	_ =	shalt  }
0x6f: {  	_ =	shalt  }
0x70: {  	_ =	shalt  }
0x71: {  	_ =	shalt  }
0x72: {  	_ =	shalt  }
0x73: {  	_ =	shalt  }
0x74: {  	_ =	shalt  }
0x75: {  	_ =	shalt  }
0x76: {  	_ =	shalt  }
0x77: {  	_ =	shalt  }
0x78: {  	_ =	shalt  }
0x79: {  	_ =	shalt  }
0x7a: {  	_ =	shalt  }
0x7b: {  	_ =	shalt  }
0x7c: {  	_ =	shalt  }
0x7d: {  	_ =	shalt  }
0x7e: {  	_ =	shalt  }
0x7f: {  	_ =	shalt  }
0x80: {  	_ =	shalt  }
0x81: {  	_ =	shalt  }
0x82: {  	_ =	shalt  }
0x83: {  	_ =	shalt  }
0x84: {  	_ =	shalt  }
0x85: {  	_ =	shalt  }
0x86: {  	_ =	shalt  }
0x87: {  	_ =	shalt  }
.Lfunc_end0:
.L_simem_size_0:
called_computation_lowered:
.L_overlay_start_0:
0x88: {  	s2 =	sld [smem:$0x3FD9]  }
0x89: {  	s3 =	sld [smem:$0x3FFE];
	_ =	sdelay $0x1  }
0x8a: {  	s1 =	srdreg.scid  }
0x8b: {  	s0 =	sand.u32 $0x1, s1  }
0x8c: {  	s17 =	sshll.u32 s0, $0xA;
	s2 =	sadd.s32 s3, s2  }
0x8d: {  	s2 =	sadd.s32 s2, s17  }
0x8e: {  	[smem:$0x3FBF] =	sst s2  }
0x8f: {  	_ = 	snop  }
0x90: {  	s2 =	sld [smem:$0x3FC7];
	(tm) =	ssettm $0x1  }
0x91: {  	s18 =	sld [smem:$0x3FFB];
	_ =	sdelay $0x3  }
0x92: {  	_ =	strace s18  }
0x93: {  	s3 =	sld [smem:$0x3FFC];
	_ =	sdelay $0x3  }
0x94: {  	_ =	strace s3  }
0x95: {  	s3 =	sld [smem:$0x3FFD];
	_ =	sdelay $0x3  }
0x96: {  	_ =	strace s3  }
0x97: {  	_ =	strace $0x8FFFFFFF  }
0x98: {  	s19 =	sld [smem:$0x3FDB];
	_ =	sdelay $0x1  }
0x99: {  	s4 =	simm.s32 $_scs_section_size  }
0x9a: {  	s5 =	simm.s32 $_size__tile_overlayer_lowered;
	s6 =	simm.s32 $_tile_overlayer_lowered  }
0x9b: {  	s22 =	simm.s32 $0x1BFF;
	s21 =	sshll.u32 s6, $0x1;
	s3 =	sadd.s32 s4, s19  }
0x9c: {  	s7 =	simm.s32 $0x0;
	s20 =	sshll.u32 s5, $0x1;
	s5 =	sadd.s32 s21, s3  }
0x9d: {  	[timem:s7], [sflag:s22] =	dma.local [hbm:s5], s20  }
0x9e: {  	_ =	swait.ge [sflag:s22], s20  }
0x9f: {  	s4 =	ssub.s32 $0x0, s20;
	[sflag:s22] =	ssyncset.done $0x0  }
0xa0: {  	[sflag:s22] =	ssyncadd.s32 s4;
	_ =	sdelay $0x1  }
0xa1: {  	s23 =	simm.s32 $0x1B8B  }
0xa2: {  	_ =	swait.ge [sflag:s23], $0x1  }
0xa3: {  	[sflag:s23] =	ssyncset.done $0x0  }
0xa4: {  	s25 =	simm.s32 $0x1B8E;
	s24 =	sld [smem:$0x3FFE];
	[sflag:s23] =	ssyncadd.s32 $0xFFFFFFFF  }
0xa5: {  	s26 =	simm.s32 $execute0_lowered;
	[smem:$0x3FD2] =	sst s25  }
0xa6: {  	s5 =	sshll.u32 s26, $0x1;
	_ =	strace $0x80000046;
	[dreg:$0x1] =	wrdreg $0xFFFFFFFF  }
0xa7: {  	s28 =	simm.s32 $_size_execute0_lowered;
	s3 =	sadd.s32 s3, s5;
	[dreg:$0x0] =	wrdreg $0x0  }
0xa8: {  	s5 =	sshll.u32 s28, $0x1;
	[dreg:$0x2] =	wrdreg s3  }
0xa9: {  	[dreg:$0x3] =	wrdreg s5  }
0xaa: {  	[dreg:$0x4] =	wrdreg $0xC0  }
0xab: {  	_ =	task [dreg:s7], $0x5FFFF  }
0xac: {  	[dreg:$0x1] =	wrdreg $0xFFFFFFFF  }
0xad: {  	[dreg:$0x0] =	wrdreg $0x60  }
0xae: {  	[dreg:$0x2] =	wrdreg s24  }
0xaf: {  	[dreg:$0x3] =	wrdreg s2  }
0xb0: {  	[dreg:$0x4] =	wrdreg $0x77000  }
0xb1: {  	[dreg:$0x5] =	wrdreg $0xCB000  }
0xb2: {  	[dreg:$0x6] =	wrdreg $0x9  }
0xb3: {  	_ =	task.clear_ibuf [dreg:s7], $0x7FFFF;
	_ =	strace $0x90000046  }
0xb4: {  	s29 =	simm.s32 $0x9;
	_ =	strace $0x80000048  }
0xb5: {  	_ =	swait.ge [sflag:s29], $0x1  }
0xb6: {  	[sflag:s29] =	ssyncadd.s32 $0xFFFFFFFF  }
0xb7: {  	_ =	strace $0x90000048  }
0xb8: {  	_ =	sfence  }
0xb9: {  	s30 =	sld [smem:$0x0];
	_ =	sdelay $0x2  }
0xba: {  	s31 =	sshll.u32 s1, $0xD;
	s1 =	sshrl.u32 s1, $0x2  }
0xbb: {  	s3 =	sand.u32 $0x4000, s31;
	s1 =	sadd.s32 s1, s30  }
0xbc: {  	s0 =	sor.u32 s3, s0;
	s1 =	sshll.u32 s1, $0x11  }
0xbd: {  	s0 =	sor.u32 s1, s0  }
0xbe: {  	s0 =	sadd.s32 $0x8F2B, s0  }
0xbf: {  	[sflag:s0] =	ssyncadd.remote.s32 $0x1  }
0xc0: {  	_ =	sfence.sel $0xFFFF  }
0xc1: {  	[dreg:$0x0] =	wrdreg $0xFFFFFFFF;
	(pc) =	sbr.abs _section_cstart, $3  }
0xc2: {  	[dreg:$0x1] =	wrdreg $0xFFFFFFFF  }
0xc3: {  	_ =	task.clear_ibuf [dreg:s7], $0x2FFFF;
	_ =	strace $0x9FFFFFFF  }
0xc4: {  	(tm) =	ssettm $0x7FFFFFFF  }
0xc5: {  	_ =	shalt  }
tec
execute0_lowered:
.L_overlay_start_1:
0x0: {  	(tag) =	ssettag $0x1  }
0x1: {  	s0 =	rddreg [dreg:$0x0]  }
0x2: {  	s1 =	rddreg [dreg:$0x1]  }
0x3: {  	s2 =	rddreg [dreg:$0x2]  }
0x4: {  	s3 =	rddreg [dreg:$0x3];
	s4 =	simm.s32 $0x0;
	s25 =	srdreg.scid  }
0x5: {  	s10 =	stileid.u32;
	s18 =	simm.s32 $0x2;
	s22 =	simm.s32 $0x800  }
0x6: {  	s23 =	simm.s32 $0x1000;
	s24 =	simm.s32 $0x0;
	[smem:$0x7FF] =	sst s4  }
0x7: {  	s5 =	sadd.s32 $0x14DE00, s0;
	s6 =	sadd.s32 $0xB800, s0;
	s7 =	sadd.s32 $0x1A00, s0  }
0x8: {  	s9 =	sadd.s32 $0x15800, s0;
	s8 =	sadd.s32 $0x15600, s0;
	s4 =	sand.u32 $0x1, s25  }
0x9: {  	s11 =	sadd.s32 $0x16400, s0;
	s12 =	sadd.s32 $0x1EA200, s0;
	s13 =	smul.u32 $0x5400, s10  }
0xa: {  	s14 =	smul.u32 $0x4E20, s10;
	s31 =	sshll.u32 s10, $0x6;
	s26 =	ssub.s32 $0x2, s4  }
0xb: {  	_ =	strace $0x80000047;
	[dreg:$0x5] =	wrdreg s8;
	s28 =	sshrl.u32 s26, $0x1  }
0xc: {  	s15 =	sshll.u32 s4, $0x1;
	s19 =	sor.u32 $0x1C02, s31;
	s0 =	ssub.s32 s26, s28  }
0xd: {  	v0 =	vlaneseq.u32;
	s29 =	sadd.s32 s13, s2;
	s30 =	sadd.s32 s13, s3;
	s0 =	smax.u32 s0, $0x1  }
0xe: {  	v1 =	vimm.s32 $0x0;
	v2 =	vadd.s32 $0x1, v0;
	s20 =	sshrl.u32 s29, $0x3;
	s21 =	sshrl.u32 s30, $0x3;
	[dreg:$0x6] =	wrdreg s0  }
.LBB2_1:
0xf: {  	s0 =	simm.s32 $0x0;
	s4 =	rddreg [dreg:$0x5];
	s8 =	simm.s32 $0x6F00  }
0x10: {  	[tilespmem:s8], [sflag:$0x2] =	stream.linear.gather [hbm4b:s4+s0], $0x800, $0x38;
	[tilespmem:$0x11F00] =	vst v63  }
0x11: {  	_ =	swait.ge [sflag:s18], $0x800  }
0x12: {  	[sflag:s18] =	ssyncset.done $0x0  }
0x13: {  	s25 =	simm.s32 $0x0;
	[sflag:s18] =	ssyncadd.s32 $0xFFFFF800  }
.LBB2_2:
0x14: {  	[spmem:s20], [sflag:s19] =	dma.local [hbm:s9], $0xA80  }
0x15: {  	_ =	swait.ge [sflag:s18], $0xA80  }
0x16: {  	[sflag:s18] =	ssyncset.done $0x0  }
0x17: {  	s0 =	sshrl.u32 s25, $0x2;
	s28 =	sand.u32 $0x3, s25;
	[sflag:s18] =	ssyncadd.s32 $0xFFFFF580  }
0x18: {  	[spmem:s21], [sflag:s19] =	dma.local [hbm:s9], $0xA80  }
0x19: {  	s26 =	sadd.s32 s15, s0;
	s17 =	smul.u32 $0xFFFFF600, s28;
	_ =	swait.ge [sflag:s18], $0xA80  }
0x1a: {  	s4 =	smul.u32 $0x2710, s26;
	[sflag:s18] =	ssyncset.done $0x0  }
0x1b: {  	s30 =	simm.s32 $0x0;
	v7 =	vimm.s32 $0xA00;
	s29 =	simm.s32 $0x0;
	[sflag:s18] =	ssyncadd.s32 $0xFFFFF580  }
0x1c: {  	s31 =	simm.s32 $0x0;
	s0 =	simm.s32 $0x0;
	v4 =	vmov s26;
	v3 =	vmov s17;
	v5 =	vmov s4;
	[bflag:$0x0] =	sbarrier.arrive $0xFFFF  }
.LBB2_3:
0x1d: {  	s4 =	smul.u32 $0x7D0, s31;
	_ =	sdelay $0x1  }
0x1e: {  	s4 =	sadd.s32 s14, s4  }
0x1f: {  	s4 =	sshrl.u32 s4, $0x3  }
0x20: {  	s8 =	sadd.s32 s6, s4  }
0x21: {  	[tilespmem:s30], [sflag:$0x2] =	stream.linear.gather [hbm4b:s8+s30], $0x7D0, $0x38;
	[tilespmem:$0x11F00] =	vst v63  }
0x22: {  	_ =	swait.ge [sflag:s18], $0x7D0  }
0x23: {  	[sflag:s18] =	ssyncset.done $0x0  }
0x24: {  	s16 =	sadd.s32 s7, s4;
	[sflag:s18] =	ssyncadd.s32 $0xFFFFF830  }
0x25: {  	[tilespmem:s22], [sflag:$0x2] =	stream.linear.gather [hbm4b:s16+s30], $0x7D0, $0x38;
	[tilespmem:$0x11F00] =	vst v63  }
0x26: {  	_ =	swait.ge [sflag:s18], $0x7D0  }
0x27: {  	[sflag:s18] =	ssyncset.done $0x0  }
0x28: {  	s4 =	sadd.s32 s1, s4;
	[sflag:s18] =	ssyncadd.s32 $0xFFFFF830  }
0x29: {  	[tilespmem:s23], [sflag:$0x2] =	stream.linear.gather [hbm4b:s4+s30], $0x7D0, $0x38;
	[tilespmem:$0x11F00] =	vst v63  }
0x2a: {  	_ =	swait.ge [sflag:s18], $0x7D0  }
0x2b: {  	[sflag:s18] =	ssyncset.done $0x0  }
0x2c: {  	s17 =	simm.s32 $0x0;
	[sflag:s18] =	ssyncadd.s32 $0xFFFFF830  }
0x2d: {  	v6 =	vld [tilespmem:s17+$0x800]  }
0x2e: {  	v8 =	vld [tilespmem:s17+$0x1000]  }
0x2f: {  	v9 =	vld [tilespmem:s17+$0x0];
	_ =	sdelay $0x2  }
0x30: {  	v6 =	vadd.s32 v3, v6  }
0x31: {  	vm0 =	veq.s32 v8, v4;
	vm1 =	vlt.u32 v6, $0xA00  }
0x32: {  	v8 =	vadd.s32 v5, v9;
	vm0 =	vmand vm0, vm1  }
0x33: {  	v8 =	vshll.u32 v8, $0xC;
	v9 =	vsel vm0, $0x1, v1  }
0x34: {  	v6 =	vadd.s32 v6, v8;
	(xrf0) =	vadd.scan.msk.s32 $0xffff, v9  }
0x35: {  	v6 =	vnsel vm0, $0xA00, v6;
	v8 =	vor.u32 $0x80000000, v9  }
0x36: {  	(xrf1) =	vsort.dscd.msk.u32 $0xffff, v8, v6;
	_ =	sdelay $0x3  }
0x37: {  	v6, _, _ =	vpop (xrf0)  }
0x38: {  	(v2sf) =	vpush v6, $0xF;
	_ =	sdelay $0x7  }
0x39: {  	s8 =	ssub.s32 $0x10, s0  }
0x3a: {  	v6 =	vadd.s32 s8, v0;
	_, v8, _ =	vpop (xrf1)  }
0x3b: {  	v9 =	vmov s0;
	v6 =	vperm.xlane v8, v6  }
0x3c: {  	s10 =	sshll.u32 s29, $0x6;
	vm15 =	vlt.s32 v9, v2  }
0x3d: {  	s4 =	sshra.s32 s10, $0x2;
	v7 =	vsel vm15, v6, v7  }
0x3e: {  	s17 =	simm.s32 $0x10;
	[tilespmem:s4+$0x1800] =	vst v7  }
0x3f: {  	v9 =	vld [tilespmem:s17+$0x1000]  }
0x40: {  	v10 =	vld [tilespmem:s17+$0x800];
	s16 =	spop (v2sf)  }
0x41: {  	v8 =	vld [tilespmem:s17+$0x0];
	s8 =	sadd.s32 s0, s16  }
0x42: {  	s0 =	simm.s32 $0x80;
	p1 =	sgt.s32 s8, $0xF  }
.LBB2_4:
0x43: {  	s17 =	simm.s32 $0x1;
	s10 =	simm.s32 $0xFFFFFFF0;
	s16 =	smov.u32 s0  }
0x44: {  	v7 =	vpsel p1, v6, v7;
	s4 =	sadd.s32 $0x40, s0;
	s17 =	simm.s32 @!p1 $0x0;
	s10 =	simm.s32 @!p1 $0x0  }
0x45: {  	p0 =	sne.s32 s0, $0x1F00;
	vm0 =	veq.s32 v9, v4;
	v6 =	vadd.s32 v3, v10;
	s29 =	sadd.s32 s17, s29;
	s0 =	sadd.s32 s8, s10  }
0x46: {  	vm1 =	vlt.u32 v6, $0xA00;
	v8 =	vadd.s32 v5, v8;
	s8 =	ssub.s32 $0x10, s0;
	v9 =	vmov s0;
	s10 =	sshll.u32 s29, $0x6  }
0x47: {  	vm0 =	vmand vm0, vm1;
	v8 =	vshll.u32 v8, $0xC  }
0x48: {  	v10 =	vsel vm0, $0x1, v1;
	v6 =	vadd.s32 v6, v8  }
0x49: {  	v6 =	vnsel vm0, $0xA00, v6;
	v8 =	vor.u32 $0x80000000, v10;
	(xrf0) =	vadd.scan.msk.s32 $0xffff, v10  }
0x4a: {  	(xrf1) =	vsort.dscd.msk.u32 $0xffff, v8, v6;
	_ =	sdelay $0x4  }
0x4b: {  	v6, _, _ =	vpop (xrf0)  }
0x4c: {  	(v2sf) =	vpush v6, $0xF;
	_ =	sdelay $0x7  }
0x4d: {  	v6 =	vadd.s32 s8, v0;
	_, v8, _ =	vpop (xrf1)  }
0x4e: {  	v6 =	vperm.xlane v8, v6  }
0x4f: {  	vm0 =	vlt.s32 v9, v2  }
0x50: {  	s8 =	sshra.s32 s10, $0x2;
	v7 =	vsel vm0, v6, v7  }
0x51: {  	s10 =	sshra.s32 s16, $0x2;
	[tilespmem:s8+$0x1800] =	vst v7  }
.Ltmp0:
0x52: {  	v9 =	vld [tilespmem:s10+$0x1000];
	(pc) =	sbr.rel @p0 .LBB2_4-.Ltmp0, $4  }
0x53: {  	v10 =	vld [tilespmem:s10+$0x800]  }
0x54: {  	v8 =	vld [tilespmem:s10+$0x0];
	s8 =	spop (v2sf)  }
0x55: {  	s8 =	sadd.s32 s0, s8  }
0x56: {  	s0 =	smov.u32 s4;
	p1 =	sgt.s32 s8, $0xF  }
0x57: {  	_ = 	snop  }
0x58: {  	v10 =	vadd.s32 v3, v10  }
0x59: {  	vm0 =	veq.s32 v9, v4;
	vm1 =	vlt.u32 v10, $0xA00  }
0x5a: {  	vm0 =	vmand vm0, vm1  }
0x5b: {  	v62 =	vsel vm0, $0x1, v1  }
0x5c: {  	(xrf0) =	vadd.scan.msk.s32 $0xffff, v62;
	_ =	sdelay $0x3  }
0x5d: {  	v8 =	vadd.s32 v5, v8  }
0x5e: {  	v8 =	vshll.u32 v8, $0xC  }
0x5f: {  	v8 =	vadd.s32 v10, v8;
	v11, _, _ =	vpop (xrf0)  }
0x60: {  	v8 =	vnsel vm0, $0xA00, v8;
	v9 =	vor.u32 $0x80000000, v62;
	(v2sf) =	vpush v11, $0xF  }
0x61: {  	(xrf1) =	vsort.dscd.msk.u32 $0xffff, v9, v8;
	_ =	sdelay $0x9  }
0x62: {  	s0 =	simm.s32 $0xFFFFFFF0  }
0x63: {  	s4 =	simm.s32 $0x1;
	s0 =	simm.s32 @!p1 $0x0  }
0x64: {  	s31 =	sadd.s32 $0x1, s31;
	s4 =	simm.s32 @!p1 $0x0;
	s0 =	sadd.s32 s8, s0  }
0x65: {  	v6 =	vpsel p1, v6, v7;
	p1 =	sne.s32 s31, $0xA;
	s4 =	sadd.s32 s4, s29;
	s8 =	ssub.s32 $0x10, s0  }
.Ltmp1:
0x66: {  	s16 =	sshll.u32 s4, $0x6;
	v8 =	vadd.s32 s8, v0;
	_, v9, _ =	vpop (xrf1);
	s10 =	spop (v2sf);
	(pc) =	sbr.rel @p1 .LBB2_3-.Ltmp1, $4  }
0x67: {  	v63 =	vmov s0;
	s17 =	sshra.s32 s16, $0x2;
	v8 =	vperm.xlane v9, v8;
	s8 =	sadd.s32 s0, s10  }
0x68: {  	vm15 =	vlt.s32 v63, v2;
	s16 =	simm.s32 $0xFFFFFFF0;
	s10 =	simm.s32 $0x1;
	p0 =	sgt.s32 s8, $0xF  }
0x69: {  	v6 =	vsel vm15, v8, v6;
	s10 =	simm.s32 @!p0 $0x0;
	s16 =	simm.s32 @!p0 $0x0  }
0x6a: {  	[tilespmem:s17+$0x1800] =	vst v6;
	v7 =	vpsel p0, v8, v6;
	s29 =	sadd.s32 s10, s4;
	s0 =	sadd.s32 s8, s16  }
0x6b: {  	v3 =	vmov s0  }
0x6c: {  	s17 =	sshll.u32 s29, $0x6;
	vm0 =	vgt.s32 v3, v0  }
0x6d: {  	s0 =	sshra.s32 s17, $0x2;
	v3 =	vnsel vm0, $0xA00, v7  }
0x6e: {  	p0 =	slt.s32 s29, $0x0;
	[tilespmem:s0+$0x1800] =	vst v3;
	s0 =	simm.s32 $0x1800  }
0x6f: {  	v3 =	vld @!p0 [tilespmem:s0+$0x0];
	_ =	sdelay $0x4  }
0x70: {  	v4 =	vshrl.u32 @!p0 v3, $0xC;
	_ =	sdelay $0x3  }
0x71: {  	s4 =	simm.s32 @!p0 $0x6700;
	s8 =	simm.s32 @!p0 $0x1;
	vm0 =	vmmov @!p0 $0xffff;
	s0 =	simm.s32 @!p0 $0x0;
	v3 =	vand.u32 @!p0 $0xFFF, v3  }
0x72: {  	[tilespmem:s4], [sflag:$0x1] =	stream.indirect_vreg.gather @!p0 [hbm4b:s5+s0], $0x80, v4, vm0, $0xb8;
	[tilespmem:$0x11F00] =	vst v63  }
0x73: {  	_ =	swait.ge @!p0 [sflag:s8], $0x800  }
0x74: {  	[sflag:s8] =	ssyncset.done @!p0 $0x0  }
0x75: {  	s0 =	simm.s32 @!p0 $0x3;
	[sflag:s8] =	ssyncadd.s32 @!p0 $0xFFFFF800  }
0x76: {  	[spmem:s2] =	stream.indirect_vreg.scatter.add.f32 @!p0 [tilespmem:s4], [sflag:$0x3], $0x80, v3, vm0, $0xb8;
	[tilespmem:$0x11F00] =	vst v63  }
0x77: {  	_ =	swait.ge @!p0 [sflag:s0], $0x800  }
0x78: {  	[sflag:s0] =	ssyncset.done @!p0 $0x0  }
0x79: {  	s8 =	simm.s32 @!p0 $0x2;
	[sflag:s0] =	ssyncadd.s32 @!p0 $0xFFFFF800;
	s0 =	simm.s32 @!p0 $0x6F00  }
0x7a: {  	[spmem:s3] =	stream.indirect_vreg.scatter.add.f32 @!p0 [tilespmem:s0], [sflag:$0x2], $0x80, v3, vm0, $0xb8;
	[tilespmem:$0x11F00] =	vst v63  }
0x7b: {  	s31 =	simm.s32 $0x2;
	_ =	swait.ge @!p0 [sflag:s8], $0x800  }
0x7c: {  	s30 =	simm.s32 $0x1810;
	s0 =	simm.s32 $0x1;
	[sflag:s8] =	ssyncset.done @!p0 $0x0  }
.LBB2_7:
0x7d: {  	[sflag:s8] =	ssyncadd.s32 @!p0 $0xFFFFF800  }
0x7e: {  	p0 =	sgt.s32 s0, s29;
	s0 =	smov.u32 s31;
	s31 =	sadd.s32 $0x1, s31  }
0x7f: {  	p1 =	sne.s32 s31, $0x4F0;
	v3 =	vld @!p0 [tilespmem:s30+$0x0];
	_ =	sdelay $0x4  }
0x80: {  	v4 =	vshrl.u32 @!p0 v3, $0xC;
	_ =	sdelay $0x3  }
0x81: {  	vm0 =	vmmov @!p0 $0xffff;
	s4 =	simm.s32 @!p0 $0x0;
	s8 =	simm.s32 @!p0 $0x6700;
	s10 =	simm.s32 @!p0 $0x1;
	v3 =	vand.u32 @!p0 $0xFFF, v3  }
0x82: {  	[tilespmem:s8], [sflag:$0x1] =	stream.indirect_vreg.gather @!p0 [hbm4b:s5+s4], $0x80, v4, vm0, $0xb8;
	[tilespmem:$0x11F00] =	vst v63  }
0x83: {  	_ =	swait.ge @!p0 [sflag:s10], $0x800  }
0x84: {  	[sflag:s10] =	ssyncset.done @!p0 $0x0  }
0x85: {  	s4 =	simm.s32 @!p0 $0x3;
	[sflag:s10] =	ssyncadd.s32 @!p0 $0xFFFFF800  }
0x86: {  	[spmem:s2] =	stream.indirect_vreg.scatter.add.f32 @!p0 [tilespmem:s8], [sflag:$0x3], $0x80, v3, vm0, $0xb8;
	[tilespmem:$0x11F00] =	vst v63  }
0x87: {  	_ =	swait.ge @!p0 [sflag:s4], $0x800  }
.Ltmp2:
0x88: {  	[sflag:s4] =	ssyncset.done @!p0 $0x0;
	(pc) =	sbr.rel @p1 .LBB2_7-.Ltmp2, $4  }
0x89: {  	s8 =	simm.s32 @!p0 $0x2;
	[sflag:s4] =	ssyncadd.s32 @!p0 $0xFFFFF800;
	s4 =	simm.s32 @!p0 $0x6F00  }
0x8a: {  	[spmem:s3] =	stream.indirect_vreg.scatter.add.f32 @!p0 [tilespmem:s4], [sflag:$0x2], $0x80, v3, vm0, $0xb8;
	[tilespmem:$0x11F00] =	vst v63  }
0x8b: {  	_ =	swait.ge @!p0 [sflag:s8], $0x800  }
0x8c: {  	s30 =	sadd.s32 $0x10, s30;
	[sflag:s8] =	ssyncset.done @!p0 $0x0  }
0x8d: {  	p1 =	sgt.s32 s0, s29;
	[sflag:s8] =	ssyncadd.s32 @!p0 $0xFFFFF800  }
0x8e: {  	v3 =	vld @!p1 [tilespmem:s30+$0x0];
	_ =	sdelay $0x4  }
0x8f: {  	v4 =	vshrl.u32 @!p1 v3, $0xC;
	_ =	sdelay $0x3  }
0x90: {  	vm0 =	vmmov @!p1 $0xffff;
	s0 =	simm.s32 @!p1 $0x0;
	s4 =	simm.s32 @!p1 $0x6700;
	s8 =	simm.s32 @!p1 $0x1;
	v3 =	vand.u32 @!p1 $0xFFF, v3  }
0x91: {  	[tilespmem:s4], [sflag:$0x1] =	stream.indirect_vreg.gather @!p1 [hbm4b:s5+s0], $0x80, v4, vm0, $0xb8;
	[tilespmem:$0x11F00] =	vst v63  }
0x92: {  	_ =	swait.ge @!p1 [sflag:s8], $0x800  }
0x93: {  	[sflag:s8] =	ssyncset.done @!p1 $0x0  }
0x94: {  	s0 =	simm.s32 @!p1 $0x3;
	[sflag:s8] =	ssyncadd.s32 @!p1 $0xFFFFF800  }
0x95: {  	[spmem:s2] =	stream.indirect_vreg.scatter.add.f32 @!p1 [tilespmem:s4], [sflag:$0x3], $0x80, v3, vm0, $0xb8;
	[tilespmem:$0x11F00] =	vst v63  }
0x96: {  	s29 =	smul.u32 $0x54000, s28;
	_ =	swait.ge @!p1 [sflag:s0], $0x800  }
0x97: {  	s30 =	smul.u32 $0x150000, s26;
	[sflag:s0] =	ssyncset.done @!p1 $0x0  }
0x98: {  	s4 =	simm.s32 @!p1 $0x2;
	[sflag:s0] =	ssyncadd.s32 @!p1 $0xFFFFF800;
	s0 =	simm.s32 @!p1 $0x6F00  }
0x99: {  	[spmem:s3] =	stream.indirect_vreg.scatter.add.f32 @!p1 [tilespmem:s0], [sflag:$0x2], $0x80, v3, vm0, $0xb8;
	[tilespmem:$0x11F00] =	vst v63  }
0x9a: {  	s0 =	sadd.s32 s13, s29;
	_ =	swait.ge @!p1 [sflag:s4], $0x800  }
0x9b: {  	s0 =	sadd.s32 s30, s0;
	[sflag:s4] =	ssyncset.done @!p1 $0x0  }
0x9c: {  	s0 =	sshrl.u32 s0, $0x3;
	[sflag:s4] =	ssyncadd.s32 @!p1 $0xFFFFF800  }
0x9d: {  	s31 =	sadd.s32 s11, s0;
	[bflag:$0x0] =	sbarrier.arrive $0xFFFF  }
0x9e: {  	[hbm:s31], [sflag:s19] =	dma.local [spmem:s20], $0xA80  }
0x9f: {  	_ =	swait.ge [sflag:s18], $0xA80  }
0xa0: {  	s25 =	sadd.s32 $0x1, s25;
	[sflag:s18] =	ssyncset.done $0x0  }
0xa1: {  	p0 =	sne.s32 s25, $0x8;
	s0 =	sadd.s32 s12, s0;
	[sflag:s18] =	ssyncadd.s32 $0xFFFFF580  }
0xa2: {  	[hbm:s0], [sflag:s19] =	dma.local [spmem:s21], $0xA80  }
.Ltmp3:
0xa3: {  	_ =	swait.ge [sflag:s18], $0xA80;
	(pc) =	sbr.rel @p0 .LBB2_2-.Ltmp3, $3  }
0xa4: {  	[sflag:s18] =	ssyncset.done $0x0  }
0xa5: {  	[sflag:s18] =	ssyncadd.s32 $0xFFFFF580  }
0xa6: {  	[bflag:$0x0] =	sbarrier.arrive $0xFFFF;
	_ =	sdelay $0x1  }
0xa7: {  	s24 =	sadd.s32 $0x1, s24;
	s0 =	rddreg [dreg:$0x6]  }
0xa8: {  	p0 =	sne.s32 s24, s0  }
.Ltmp4:
0xa9: {  	_ = 	snop;
	(pc) =	sbr.rel @p0 .LBB2_1-.Ltmp4, $1  }
0xaa: {  	_ =	sdelay $0x3  }
0xab: {  	_ =	sfence.sel $0x180000  }
0xac: {  	[bflag:$0x0] =	sbarrier.arrive $0xFFFF  }
0xad: {  	_ =	strace $0x90000047  }
0xae: {  	s0 =	stileid.u32;
	[bflag:$0x2] =	sbarrier.arrive $0xFFFF  }
0xaf: {  	p0 =	sne.s32 s0, $0x0;
	s0 =	rddreg [dreg:$0x4]  }
0xb0: {  	s0 =	sadd.s32 @!p0 $0x100000, s0  }
0xb1: {  	[sflag:s0] =	ssyncadd.tile.s32 @!p0 $0x1;
	_ =	shalt  }
.Lfunc_end2:
_tile_overlayer_lowered:
.L_overlay_start_2:
0xb2: {  	(tag) =	ssettag $0x2  }
0xb3: {  	s0 =	rddreg [dreg:$0x0];
	s2 =	stileid.u32  }
0xb4: {  	s1 =	rddreg [dreg:$0x1];
	p0 =	sne.s32 s2, $0x0  }
0xb5: {  	s3 =	rddreg [dreg:$0x2];
	[bflag:$0x3] =	sbarrier.arrive $0xFFFF;
	s2 =	simm.s32 @!p0 $0x1C02  }
0xb6: {  	[timem:s3], [sflag:s2] =	dma.local @!p0 [hbm:s0], s1  }
0xb7: {  	s0 =	simm.s32 @!p0 $0x2  }
0xb8: {  	_ =	swait.ge @!p0 [sflag:s0], s1  }
0xb9: {  	s1 =	ssub.s32 @!p0 $0x0, s1;
	[sflag:s0] =	ssyncset.done @!p0 $0x0  }
0xba: {  	[sflag:s0] =	ssyncadd.s32 @!p0 s1  }
0xbb: {  	[bflag:$0x3] =	sbarrier.arrive $0xFFFF  }
0xbc: {  	_ =	shalt  }

</sc_bundles>
